<compile_context>
chip_gen: v7x
topology: tpu7x:2x2x1
jax: 0.10.2.dev20260603
libtpu: 0.0.44.dev20260713+nightly
codegen_flags: <defaults>
</compile_context>

<pallas_src>
import functools

import jax
import jax.numpy as jnp
from jax import lax
from jax.experimental import pallas as pl
from jax.experimental.pallas import tpu as pltpu
from jax.experimental.pallas import tpu_sc as plsc

_B, _T, _D = 4, 4096, 1024
_N = _B * _T
_NC = 2
_NS = 16
_NW = _NC * _NS
_BPW = _N // _NW
_C = 16
_NCH = _BPW // _C
_NB = 6


def _make_kernel():
    mesh = plsc.VectorSubcoreMesh(core_axis_name="c", subcore_axis_name="s")

    scratch = [pltpu.VMEM((_BPW,), jnp.int32)]
    scratch += [pltpu.VMEM((_C, _D), jnp.float32) for _ in range(_NB)]
    scratch += [pltpu.SemaphoreType.DMA for _ in range(2 * _NB)]

    @functools.partial(
        pl.kernel,
        mesh=mesh,
        out_type=jax.ShapeDtypeStruct((_N, _D), jnp.float32),
        scratch_types=scratch,
    )
    def emb_kernel(idx_hbm, table_hbm, out_hbm, idx_v, *rest):
        bufs = rest[:_NB]
        gsems = rest[_NB:2 * _NB]
        wsems = rest[2 * _NB:]
        wid = lax.axis_index("s") * _NC + lax.axis_index("c")
        base = wid * _BPW
        pltpu.sync_copy(idx_hbm.at[pl.ds(base, _BPW)], idx_v)

        def start_gather(c):
            return pltpu.async_copy(
                table_hbm.at[idx_v.at[pl.ds(c * _C, _C)]],
                bufs[c % _NB], gsems[c % _NB])

        gcps = {}
        for c in range(_NB):
            gcps[c] = start_gather(c)
        for c in range(_NCH):
            s = c % _NB
            gcps[c].wait()
            if c + _NB < _NCH:
                gcps[c + _NB] = start_gather(c + _NB)

    return emb_kernel


_emb = _make_kernel()


def kernel(input_ids, token_emb_weight):
    idx = input_ids.reshape(_N).astype(jnp.int32)
    out = _emb(idx, token_emb_weight)
    return out.reshape(_B, _T, _D)

# --- scband reference (transcript-rebuilt; emitter-appended) ---
"""Pipeline reference for scband-euclidean-embedding-41120016892135 (READ-ONLY COPY).

The authoritative reference and input builder live on the scoring server;
editing this copy changes nothing except your own understanding.
"""

import jax, jax.numpy as jnp
import numpy as np

VOCAB = 100000
D_MODEL = 1024
B, T = 4, 4096

def setup_inputs(seed: int = 0) -> dict:
    key = jax.random.key(seed)
    k1, k2 = jax.random.split(key)
    input_ids = jax.random.randint(k1, (B, T), 0, VOCAB, dtype=jnp.int64 if jax.config.jax_enable_x64 else jnp.int32)
    token_emb_weight = jax.random.normal(k2, (VOCAB, D_MODEL), dtype=jnp.float32) * 0.02
    return {"input_ids": input_ids, "token_emb_weight": token_emb_weight}

def reference(input_ids, token_emb_weight):
    # EuclideanEmbedding.forward with use_rope=True: pure token embedding gather.
    # RoPE cos/sin buffers are computed in __init__ but not used in forward.
    h = jnp.take(token_emb_weight, input_ids, axis=0)
    return h

if __name__ == "__main__":
    import jax
    _d = setup_inputs()
    print(jax.jit(kernel)(*tuple(_d.values())))

</pallas_src>

<mosaic_0001>
#map = affine_map<(d0, d1) -> (0)>
#map1 = affine_map<(d0, d1) -> (0, 0)>
module attributes {stable_mosaic.version = 14 : i64} {
  func.func @emb_kernel(%arg0: i32, %arg1: i32, %arg2: memref<16384xi32, #tpu.memory_space<hbm>>, %arg3: memref<100000x1024xf32, #tpu.memory_space<hbm>>, %arg4: memref<16384x1024xf32, #tpu.memory_space<hbm>>, %arg5: memref<512xi32, #tpu.memory_space<vmem>>, %arg6: memref<16x1024xf32, #tpu.memory_space<vmem>>, %arg7: memref<16x1024xf32, #tpu.memory_space<vmem>>, %arg8: memref<16x1024xf32, #tpu.memory_space<vmem>>, %arg9: memref<16x1024xf32, #tpu.memory_space<vmem>>, %arg10: memref<16x1024xf32, #tpu.memory_space<vmem>>, %arg11: memref<16x1024xf32, #tpu.memory_space<vmem>>, %arg12: memref<!tpu.dma_semaphore, #tpu.memory_space<semaphore_mem>>, %arg13: memref<!tpu.dma_semaphore, #tpu.memory_space<semaphore_mem>>, %arg14: memref<!tpu.dma_semaphore, #tpu.memory_space<semaphore_mem>>, %arg15: memref<!tpu.dma_semaphore, #tpu.memory_space<semaphore_mem>>, %arg16: memref<!tpu.dma_semaphore, #tpu.memory_space<semaphore_mem>>, %arg17: memref<!tpu.dma_semaphore, #tpu.memory_space<semaphore_mem>>, %arg18: memref<!tpu.dma_semaphore, #tpu.memory_space<semaphore_mem>>, %arg19: memref<!tpu.dma_semaphore, #tpu.memory_space<semaphore_mem>>, %arg20: memref<!tpu.dma_semaphore, #tpu.memory_space<semaphore_mem>>, %arg21: memref<!tpu.dma_semaphore, #tpu.memory_space<semaphore_mem>>, %arg22: memref<!tpu.dma_semaphore, #tpu.memory_space<semaphore_mem>>, %arg23: memref<!tpu.dma_semaphore, #tpu.memory_space<semaphore_mem>>) attributes {dimension_semantics = [#tpu.dimension_semantics<core_parallel>, #tpu.dimension_semantics<subcore_parallel>], iteration_bounds = array<i64: 2, 16>, scalar_prefetch = 0 : i64, scratch_operands = 19 : i64, tpu.core_type = #tpu.core_type<sc_vector_subcore>, window_params = [{transform_indices = #map}, {transform_indices = #map1}, {transform_indices = #map1}]} {
    %mul3A = arith.constant 2 : i32
    %mul3A_0 = arith.muli %arg1, %mul3A : i32
    %add3A = arith.addi %mul3A_0, %arg0 : i32
    %mul3A_1 = arith.constant 512 : i32
    %mul3A_2 = arith.muli %add3A, %mul3A_1 : i32
    "tpu.region"() ({
      %run_scoped3A = tpu.sem_alloc : memref<!tpu.dma_semaphore, #tpu.memory_space<semaphore_mem>>
      %dma_start3A_321 = tpu.memref_slice %arg2[%mul3A_2] : memref<16384xi32, #tpu.memory_space<hbm>> -> memref<512xi32, #tpu.memory_space<hbm>>
      %dma_start3A_322 = tpu.memref_slice %arg2[%mul3A_2] : memref<16384xi32, #tpu.memory_space<hbm>> -> memref<512xi32, #tpu.memory_space<hbm>>
      tpu.enqueue_dma source(%dma_start3A_322 : memref<512xi32, #tpu.memory_space<hbm>>) target(%arg5 : memref<512xi32, #tpu.memory_space<vmem>>) target_semaphore(%run_scoped3A : memref<!tpu.dma_semaphore, #tpu.memory_space<semaphore_mem>>)
      %dma_wait3A_323 = tpu.memref_slice %arg2[%mul3A_2] : memref<16384xi32, #tpu.memory_space<hbm>> -> memref<512xi32, #tpu.memory_space<hbm>>
      %dma_wait3A_324 = tpu.memref_slice %arg2[%mul3A_2] : memref<16384xi32, #tpu.memory_space<hbm>> -> memref<512xi32, #tpu.memory_space<hbm>>
      tpu.wait_dma2 semaphore(%run_scoped3A : memref<!tpu.dma_semaphore, #tpu.memory_space<semaphore_mem>>) src(%dma_wait3A_324 : memref<512xi32, #tpu.memory_space<hbm>>) dst(%arg5 : memref<512xi32, #tpu.memory_space<vmem>>)
      tpu.yield
    }) : () -> ()
    %dma_start3A = arith.constant 0 : i32
    %dma_start3A_3 = tpu.memref_slice %arg5[%dma_start3A] : memref<512xi32, #tpu.memory_space<vmem>> -> memref<16xi32, #tpu.memory_space<vmem>>
    %dma_start3A_4 = arith.constant 0 : i32
    %dma_start3A_5 = arith.constant 0 : i32
    %dma_start3A_6 = tpu.memref_slice %arg3[%dma_start3A_4, %dma_start3A_5] : memref<100000x1024xf32, #tpu.memory_space<hbm>> -> memref<100000x1024xf32, #tpu.memory_space<hbm>>
    tpu.enqueue_indirect_dma source(%dma_start3A_6 : memref<100000x1024xf32, #tpu.memory_space<hbm>>) target(%arg6 : memref<16x1024xf32, #tpu.memory_space<vmem>>) offsets(%dma_start3A_3 : memref<16xi32, #tpu.memory_space<vmem>>) semaphore(%arg12 : memref<!tpu.dma_semaphore, #tpu.memory_space<semaphore_mem>>)
    %dma_start3A_7 = arith.constant 16 : i32
    %dma_start3A_8 = tpu.memref_slice %arg5[%dma_start3A_7] : memref<512xi32, #tpu.memory_space<vmem>> -> memref<16xi32, #tpu.memory_space<vmem>>
    %dma_start3A_9 = arith.constant 0 : i32
    %dma_start3A_10 = arith.constant 0 : i32
    %dma_start3A_11 = tpu.memref_slice %arg3[%dma_start3A_9, %dma_start3A_10] : memref<100000x1024xf32, #tpu.memory_space<hbm>> -> memref<100000x1024xf32, #tpu.memory_space<hbm>>
    tpu.enqueue_indirect_dma source(%dma_start3A_11 : memref<100000x1024xf32, #tpu.memory_space<hbm>>) target(%arg7 : memref<16x1024xf32, #tpu.memory_space<vmem>>) offsets(%dma_start3A_8 : memref<16xi32, #tpu.memory_space<vmem>>) semaphore(%arg13 : memref<!tpu.dma_semaphore, #tpu.memory_space<semaphore_mem>>)
    %dma_start3A_12 = arith.constant 32 : i32
    %dma_start3A_13 = tpu.memref_slice %arg5[%dma_start3A_12] : memref<512xi32, #tpu.memory_space<vmem>> -> memref<16xi32, #tpu.memory_space<vmem>>
    %dma_start3A_14 = arith.constant 0 : i32
    %dma_start3A_15 = arith.constant 0 : i32
    %dma_start3A_16 = tpu.memref_slice %arg3[%dma_start3A_14, %dma_start3A_15] : memref<100000x1024xf32, #tpu.memory_space<hbm>> -> memref<100000x1024xf32, #tpu.memory_space<hbm>>
    tpu.enqueue_indirect_dma source(%dma_start3A_16 : memref<100000x1024xf32, #tpu.memory_space<hbm>>) target(%arg8 : memref<16x1024xf32, #tpu.memory_space<vmem>>) offsets(%dma_start3A_13 : memref<16xi32, #tpu.memory_space<vmem>>) semaphore(%arg14 : memref<!tpu.dma_semaphore, #tpu.memory_space<semaphore_mem>>)
    %dma_start3A_17 = arith.constant 48 : i32
    %dma_start3A_18 = tpu.memref_slice %arg5[%dma_start3A_17] : memref<512xi32, #tpu.memory_space<vmem>> -> memref<16xi32, #tpu.memory_space<vmem>>
    %dma_start3A_19 = arith.constant 0 : i32
    %dma_start3A_20 = arith.constant 0 : i32
    %dma_start3A_21 = tpu.memref_slice %arg3[%dma_start3A_19, %dma_start3A_20] : memref<100000x1024xf32, #tpu.memory_space<hbm>> -> memref<100000x1024xf32, #tpu.memory_space<hbm>>
    tpu.enqueue_indirect_dma source(%dma_start3A_21 : memref<100000x1024xf32, #tpu.memory_space<hbm>>) target(%arg9 : memref<16x1024xf32, #tpu.memory_space<vmem>>) offsets(%dma_start3A_18 : memref<16xi32, #tpu.memory_space<vmem>>) semaphore(%arg15 : memref<!tpu.dma_semaphore, #tpu.memory_space<semaphore_mem>>)
    %dma_start3A_22 = arith.constant 64 : i32
    %dma_start3A_23 = tpu.memref_slice %arg5[%dma_start3A_22] : memref<512xi32, #tpu.memory_space<vmem>> -> memref<16xi32, #tpu.memory_space<vmem>>
    %dma_start3A_24 = arith.constant 0 : i32
    %dma_start3A_25 = arith.constant 0 : i32
    %dma_start3A_26 = tpu.memref_slice %arg3[%dma_start3A_24, %dma_start3A_25] : memref<100000x1024xf32, #tpu.memory_space<hbm>> -> memref<100000x1024xf32, #tpu.memory_space<hbm>>
    tpu.enqueue_indirect_dma source(%dma_start3A_26 : memref<100000x1024xf32, #tpu.memory_space<hbm>>) target(%arg10 : memref<16x1024xf32, #tpu.memory_space<vmem>>) offsets(%dma_start3A_23 : memref<16xi32, #tpu.memory_space<vmem>>) semaphore(%arg16 : memref<!tpu.dma_semaphore, #tpu.memory_space<semaphore_mem>>)
    %dma_start3A_27 = arith.constant 80 : i32
    %dma_start3A_28 = tpu.memref_slice %arg5[%dma_start3A_27] : memref<512xi32, #tpu.memory_space<vmem>> -> memref<16xi32, #tpu.memory_space<vmem>>
    %dma_start3A_29 = arith.constant 0 : i32
    %dma_start3A_30 = arith.constant 0 : i32
    %dma_start3A_31 = tpu.memref_slice %arg3[%dma_start3A_29, %dma_start3A_30] : memref<100000x1024xf32, #tpu.memory_space<hbm>> -> memref<100000x1024xf32, #tpu.memory_space<hbm>>
    tpu.enqueue_indirect_dma source(%dma_start3A_31 : memref<100000x1024xf32, #tpu.memory_space<hbm>>) target(%arg11 : memref<16x1024xf32, #tpu.memory_space<vmem>>) offsets(%dma_start3A_28 : memref<16xi32, #tpu.memory_space<vmem>>) semaphore(%arg17 : memref<!tpu.dma_semaphore, #tpu.memory_space<semaphore_mem>>)
    %dma_wait3A = arith.constant 0 : i32
    %dma_wait3A_32 = tpu.memref_slice %arg5[%dma_wait3A] : memref<512xi32, #tpu.memory_space<vmem>> -> memref<16xi32, #tpu.memory_space<vmem>>
    %dma_wait3A_33 = arith.constant 0 : i32
    %dma_wait3A_34 = arith.constant 0 : i32
    %dma_wait3A_35 = tpu.memref_slice %arg3[%dma_wait3A_33, %dma_wait3A_34] : memref<100000x1024xf32, #tpu.memory_space<hbm>> -> memref<100000x1024xf32, #tpu.memory_space<hbm>>
    tpu.wait_indirect_dma semaphore(%arg12 : memref<!tpu.dma_semaphore, #tpu.memory_space<semaphore_mem>>) src(%dma_wait3A_35 : memref<100000x1024xf32, #tpu.memory_space<hbm>>) dst(%arg6 : memref<16x1024xf32, #tpu.memory_space<vmem>>)
    %dma_start3A_36 = arith.constant 96 : i32
    %dma_start3A_37 = tpu.memref_slice %arg5[%dma_start3A_36] : memref<512xi32, #tpu.memory_space<vmem>> -> memref<16xi32, #tpu.memory_space<vmem>>
    %dma_start3A_38 = arith.constant 0 : i32
    %dma_start3A_39 = arith.constant 0 : i32
    %dma_start3A_40 = tpu.memref_slice %arg3[%dma_start3A_38, %dma_start3A_39] : memref<100000x1024xf32, #tpu.memory_space<hbm>> -> memref<100000x1024xf32, #tpu.memory_space<hbm>>
    tpu.enqueue_indirect_dma source(%dma_start3A_40 : memref<100000x1024xf32, #tpu.memory_space<hbm>>) target(%arg6 : memref<16x1024xf32, #tpu.memory_space<vmem>>) offsets(%dma_start3A_37 : memref<16xi32, #tpu.memory_space<vmem>>) semaphore(%arg12 : memref<!tpu.dma_semaphore, #tpu.memory_space<semaphore_mem>>)
    %dma_wait3A_41 = arith.constant 16 : i32
    %dma_wait3A_42 = tpu.memref_slice %arg5[%dma_wait3A_41] : memref<512xi32, #tpu.memory_space<vmem>> -> memref<16xi32, #tpu.memory_space<vmem>>
    %dma_wait3A_43 = arith.constant 0 : i32
    %dma_wait3A_44 = arith.constant 0 : i32
    %dma_wait3A_45 = tpu.memref_slice %arg3[%dma_wait3A_43, %dma_wait3A_44] : memref<100000x1024xf32, #tpu.memory_space<hbm>> -> memref<100000x1024xf32, #tpu.memory_space<hbm>>
    tpu.wait_indirect_dma semaphore(%arg13 : memref<!tpu.dma_semaphore, #tpu.memory_space<semaphore_mem>>) src(%dma_wait3A_45 : memref<100000x1024xf32, #tpu.memory_space<hbm>>) dst(%arg7 : memref<16x1024xf32, #tpu.memory_space<vmem>>)
    %dma_start3A_46 = arith.constant 112 : i32
    %dma_start3A_47 = tpu.memref_slice %arg5[%dma_start3A_46] : memref<512xi32, #tpu.memory_space<vmem>> -> memref<16xi32, #tpu.memory_space<vmem>>
    %dma_start3A_48 = arith.constant 0 : i32
    %dma_start3A_49 = arith.constant 0 : i32
    %dma_start3A_50 = tpu.memref_slice %arg3[%dma_start3A_48, %dma_start3A_49] : memref<100000x1024xf32, #tpu.memory_space<hbm>> -> memref<100000x1024xf32, #tpu.memory_space<hbm>>
    tpu.enqueue_indirect_dma source(%dma_start3A_50 : memref<100000x1024xf32, #tpu.memory_space<hbm>>) target(%arg7 : memref<16x1024xf32, #tpu.memory_space<vmem>>) offsets(%dma_start3A_47 : memref<16xi32, #tpu.memory_space<vmem>>) semaphore(%arg13 : memref<!tpu.dma_semaphore, #tpu.memory_space<semaphore_mem>>)
    %dma_wait3A_51 = arith.constant 32 : i32
    %dma_wait3A_52 = tpu.memref_slice %arg5[%dma_wait3A_51] : memref<512xi32, #tpu.memory_space<vmem>> -> memref<16xi32, #tpu.memory_space<vmem>>
    %dma_wait3A_53 = arith.constant 0 : i32
    %dma_wait3A_54 = arith.constant 0 : i32
    %dma_wait3A_55 = tpu.memref_slice %arg3[%dma_wait3A_53, %dma_wait3A_54] : memref<100000x1024xf32, #tpu.memory_space<hbm>> -> memref<100000x1024xf32, #tpu.memory_space<hbm>>
    tpu.wait_indirect_dma semaphore(%arg14 : memref<!tpu.dma_semaphore, #tpu.memory_space<semaphore_mem>>) src(%dma_wait3A_55 : memref<100000x1024xf32, #tpu.memory_space<hbm>>) dst(%arg8 : memref<16x1024xf32, #tpu.memory_space<vmem>>)
    %dma_start3A_56 = arith.constant 128 : i32
    %dma_start3A_57 = tpu.memref_slice %arg5[%dma_start3A_56] : memref<512xi32, #tpu.memory_space<vmem>> -> memref<16xi32, #tpu.memory_space<vmem>>
    %dma_start3A_58 = arith.constant 0 : i32
    %dma_start3A_59 = arith.constant 0 : i32
    %dma_start3A_60 = tpu.memref_slice %arg3[%dma_start3A_58, %dma_start3A_59] : memref<100000x1024xf32, #tpu.memory_space<hbm>> -> memref<100000x1024xf32, #tpu.memory_space<hbm>>
    tpu.enqueue_indirect_dma source(%dma_start3A_60 : memref<100000x1024xf32, #tpu.memory_space<hbm>>) target(%arg8 : memref<16x1024xf32, #tpu.memory_space<vmem>>) offsets(%dma_start3A_57 : memref<16xi32, #tpu.memory_space<vmem>>) semaphore(%arg14 : memref<!tpu.dma_semaphore, #tpu.memory_space<semaphore_mem>>)
    %dma_wait3A_61 = arith.constant 48 : i32
    %dma_wait3A_62 = tpu.memref_slice %arg5[%dma_wait3A_61] : memref<512xi32, #tpu.memory_space<vmem>> -> memref<16xi32, #tpu.memory_space<vmem>>
    %dma_wait3A_63 = arith.constant 0 : i32
    %dma_wait3A_64 = arith.constant 0 : i32
    %dma_wait3A_65 = tpu.memref_slice %arg3[%dma_wait3A_63, %dma_wait3A_64] : memref<100000x1024xf32, #tpu.memory_space<hbm>> -> memref<100000x1024xf32, #tpu.memory_space<hbm>>
    tpu.wait_indirect_dma semaphore(%arg15 : memref<!tpu.dma_semaphore, #tpu.memory_space<semaphore_mem>>) src(%dma_wait3A_65 : memref<100000x1024xf32, #tpu.memory_space<hbm>>) dst(%arg9 : memref<16x1024xf32, #tpu.memory_space<vmem>>)
    %dma_start3A_66 = arith.constant 144 : i32
    %dma_start3A_67 = tpu.memref_slice %arg5[%dma_start3A_66] : memref<512xi32, #tpu.memory_space<vmem>> -> memref<16xi32, #tpu.memory_space<vmem>>
    %dma_start3A_68 = arith.constant 0 : i32
    %dma_start3A_69 = arith.constant 0 : i32
    %dma_start3A_70 = tpu.memref_slice %arg3[%dma_start3A_68, %dma_start3A_69] : memref<100000x1024xf32, #tpu.memory_space<hbm>> -> memref<100000x1024xf32, #tpu.memory_space<hbm>>
    tpu.enqueue_indirect_dma source(%dma_start3A_70 : memref<100000x1024xf32, #tpu.memory_space<hbm>>) target(%arg9 : memref<16x1024xf32, #tpu.memory_space<vmem>>) offsets(%dma_start3A_67 : memref<16xi32, #tpu.memory_space<vmem>>) semaphore(%arg15 : memref<!tpu.dma_semaphore, #tpu.memory_space<semaphore_mem>>)
    %dma_wait3A_71 = arith.constant 64 : i32
    %dma_wait3A_72 = tpu.memref_slice %arg5[%dma_wait3A_71] : memref<512xi32, #tpu.memory_space<vmem>> -> memref<16xi32, #tpu.memory_space<vmem>>
    %dma_wait3A_73 = arith.constant 0 : i32
    %dma_wait3A_74 = arith.constant 0 : i32
    %dma_wait3A_75 = tpu.memref_slice %arg3[%dma_wait3A_73, %dma_wait3A_74] : memref<100000x1024xf32, #tpu.memory_space<hbm>> -> memref<100000x1024xf32, #tpu.memory_space<hbm>>
    tpu.wait_indirect_dma semaphore(%arg16 : memref<!tpu.dma_semaphore, #tpu.memory_space<semaphore_mem>>) src(%dma_wait3A_75 : memref<100000x1024xf32, #tpu.memory_space<hbm>>) dst(%arg10 : memref<16x1024xf32, #tpu.memory_space<vmem>>)
    %dma_start3A_76 = arith.constant 160 : i32
    %dma_start3A_77 = tpu.memref_slice %arg5[%dma_start3A_76] : memref<512xi32, #tpu.memory_space<vmem>> -> memref<16xi32, #tpu.memory_space<vmem>>
    %dma_start3A_78 = arith.constant 0 : i32
    %dma_start3A_79 = arith.constant 0 : i32
    %dma_start3A_80 = tpu.memref_slice %arg3[%dma_start3A_78, %dma_start3A_79] : memref<100000x1024xf32, #tpu.memory_space<hbm>> -> memref<100000x1024xf32, #tpu.memory_space<hbm>>
    tpu.enqueue_indirect_dma source(%dma_start3A_80 : memref<100000x1024xf32, #tpu.memory_space<hbm>>) target(%arg10 : memref<16x1024xf32, #tpu.memory_space<vmem>>) offsets(%dma_start3A_77 : memref<16xi32, #tpu.memory_space<vmem>>) semaphore(%arg16 : memref<!tpu.dma_semaphore, #tpu.memory_space<semaphore_mem>>)
    %dma_wait3A_81 = arith.constant 80 : i32
    %dma_wait3A_82 = tpu.memref_slice %arg5[%dma_wait3A_81] : memref<512xi32, #tpu.memory_space<vmem>> -> memref<16xi32, #tpu.memory_space<vmem>>
    %dma_wait3A_83 = arith.constant 0 : i32
    %dma_wait3A_84 = arith.constant 0 : i32
    %dma_wait3A_85 = tpu.memref_slice %arg3[%dma_wait3A_83, %dma_wait3A_84] : memref<100000x1024xf32, #tpu.memory_space<hbm>> -> memref<100000x1024xf32, #tpu.memory_space<hbm>>
    tpu.wait_indirect_dma semaphore(%arg17 : memref<!tpu.dma_semaphore, #tpu.memory_space<semaphore_mem>>) src(%dma_wait3A_85 : memref<100000x1024xf32, #tpu.memory_space<hbm>>) dst(%arg11 : memref<16x1024xf32, #tpu.memory_space<vmem>>)
    %dma_start3A_86 = arith.constant 176 : i32
    %dma_start3A_87 = tpu.memref_slice %arg5[%dma_start3A_86] : memref<512xi32, #tpu.memory_space<vmem>> -> memref<16xi32, #tpu.memory_space<vmem>>
    %dma_start3A_88 = arith.constant 0 : i32
    %dma_start3A_89 = arith.constant 0 : i32
    %dma_start3A_90 = tpu.memref_slice %arg3[%dma_start3A_88, %dma_start3A_89] : memref<100000x1024xf32, #tpu.memory_space<hbm>> -> memref<100000x1024xf32, #tpu.memory_space<hbm>>
    tpu.enqueue_indirect_dma source(%dma_start3A_90 : memref<100000x1024xf32, #tpu.memory_space<hbm>>) target(%arg11 : memref<16x1024xf32, #tpu.memory_space<vmem>>) offsets(%dma_start3A_87 : memref<16xi32, #tpu.memory_space<vmem>>) semaphore(%arg17 : memref<!tpu.dma_semaphore, #tpu.memory_space<semaphore_mem>>)
    %dma_wait3A_91 = arith.constant 96 : i32
    %dma_wait3A_92 = tpu.memref_slice %arg5[%dma_wait3A_91] : memref<512xi32, #tpu.memory_space<vmem>> -> memref<16xi32, #tpu.memory_space<vmem>>
    %dma_wait3A_93 = arith.constant 0 : i32
    %dma_wait3A_94 = arith.constant 0 : i32
    %dma_wait3A_95 = tpu.memref_slice %arg3[%dma_wait3A_93, %dma_wait3A_94] : memref<100000x1024xf32, #tpu.memory_space<hbm>> -> memref<100000x1024xf32, #tpu.memory_space<hbm>>
    tpu.wait_indirect_dma semaphore(%arg12 : memref<!tpu.dma_semaphore, #tpu.memory_space<semaphore_mem>>) src(%dma_wait3A_95 : memref<100000x1024xf32, #tpu.memory_space<hbm>>) dst(%arg6 : memref<16x1024xf32, #tpu.memory_space<vmem>>)
    %dma_start3A_96 = arith.constant 192 : i32
    %dma_start3A_97 = tpu.memref_slice %arg5[%dma_start3A_96] : memref<512xi32, #tpu.memory_space<vmem>> -> memref<16xi32, #tpu.memory_space<vmem>>
    %dma_start3A_98 = arith.constant 0 : i32
    %dma_start3A_99 = arith.constant 0 : i32
    %dma_start3A_100 = tpu.memref_slice %arg3[%dma_start3A_98, %dma_start3A_99] : memref<100000x1024xf32, #tpu.memory_space<hbm>> -> memref<100000x1024xf32, #tpu.memory_space<hbm>>
    tpu.enqueue_indirect_dma source(%dma_start3A_100 : memref<100000x1024xf32, #tpu.memory_space<hbm>>) target(%arg6 : memref<16x1024xf32, #tpu.memory_space<vmem>>) offsets(%dma_start3A_97 : memref<16xi32, #tpu.memory_space<vmem>>) semaphore(%arg12 : memref<!tpu.dma_semaphore, #tpu.memory_space<semaphore_mem>>)
    %dma_wait3A_101 = arith.constant 112 : i32
    %dma_wait3A_102 = tpu.memref_slice %arg5[%dma_wait3A_101] : memref<512xi32, #tpu.memory_space<vmem>> -> memref<16xi32, #tpu.memory_space<vmem>>
    %dma_wait3A_103 = arith.constant 0 : i32
    %dma_wait3A_104 = arith.constant 0 : i32
    %dma_wait3A_105 = tpu.memref_slice %arg3[%dma_wait3A_103, %dma_wait3A_104] : memref<100000x1024xf32, #tpu.memory_space<hbm>> -> memref<100000x1024xf32, #tpu.memory_space<hbm>>
    tpu.wait_indirect_dma semaphore(%arg13 : memref<!tpu.dma_semaphore, #tpu.memory_space<semaphore_mem>>) src(%dma_wait3A_105 : memref<100000x1024xf32, #tpu.memory_space<hbm>>) dst(%arg7 : memref<16x1024xf32, #tpu.memory_space<vmem>>)
    %dma_start3A_106 = arith.constant 208 : i32
    %dma_start3A_107 = tpu.memref_slice %arg5[%dma_start3A_106] : memref<512xi32, #tpu.memory_space<vmem>> -> memref<16xi32, #tpu.memory_space<vmem>>
    %dma_start3A_108 = arith.constant 0 : i32
    %dma_start3A_109 = arith.constant 0 : i32
    %dma_start3A_110 = tpu.memref_slice %arg3[%dma_start3A_108, %dma_start3A_109] : memref<100000x1024xf32, #tpu.memory_space<hbm>> -> memref<100000x1024xf32, #tpu.memory_space<hbm>>
    tpu.enqueue_indirect_dma source(%dma_start3A_110 : memref<100000x1024xf32, #tpu.memory_space<hbm>>) target(%arg7 : memref<16x1024xf32, #tpu.memory_space<vmem>>) offsets(%dma_start3A_107 : memref<16xi32, #tpu.memory_space<vmem>>) semaphore(%arg13 : memref<!tpu.dma_semaphore, #tpu.memory_space<semaphore_mem>>)
    %dma_wait3A_111 = arith.constant 128 : i32
    %dma_wait3A_112 = tpu.memref_slice %arg5[%dma_wait3A_111] : memref<512xi32, #tpu.memory_space<vmem>> -> memref<16xi32, #tpu.memory_space<vmem>>
    %dma_wait3A_113 = arith.constant 0 : i32
    %dma_wait3A_114 = arith.constant 0 : i32
    %dma_wait3A_115 = tpu.memref_slice %arg3[%dma_wait3A_113, %dma_wait3A_114] : memref<100000x1024xf32, #tpu.memory_space<hbm>> -> memref<100000x1024xf32, #tpu.memory_space<hbm>>
    tpu.wait_indirect_dma semaphore(%arg14 : memref<!tpu.dma_semaphore, #tpu.memory_space<semaphore_mem>>) src(%dma_wait3A_115 : memref<100000x1024xf32, #tpu.memory_space<hbm>>) dst(%arg8 : memref<16x1024xf32, #tpu.memory_space<vmem>>)
    %dma_start3A_116 = arith.constant 224 : i32
    %dma_start3A_117 = tpu.memref_slice %arg5[%dma_start3A_116] : memref<512xi32, #tpu.memory_space<vmem>> -> memref<16xi32, #tpu.memory_space<vmem>>
    %dma_start3A_118 = arith.constant 0 : i32
    %dma_start3A_119 = arith.constant 0 : i32
    %dma_start3A_120 = tpu.memref_slice %arg3[%dma_start3A_118, %dma_start3A_119] : memref<100000x1024xf32, #tpu.memory_space<hbm>> -> memref<100000x1024xf32, #tpu.memory_space<hbm>>
    tpu.enqueue_indirect_dma source(%dma_start3A_120 : memref<100000x1024xf32, #tpu.memory_space<hbm>>) target(%arg8 : memref<16x1024xf32, #tpu.memory_space<vmem>>) offsets(%dma_start3A_117 : memref<16xi32, #tpu.memory_space<vmem>>) semaphore(%arg14 : memref<!tpu.dma_semaphore, #tpu.memory_space<semaphore_mem>>)
    %dma_wait3A_121 = arith.constant 144 : i32
    %dma_wait3A_122 = tpu.memref_slice %arg5[%dma_wait3A_121] : memref<512xi32, #tpu.memory_space<vmem>> -> memref<16xi32, #tpu.memory_space<vmem>>
    %dma_wait3A_123 = arith.constant 0 : i32
    %dma_wait3A_124 = arith.constant 0 : i32
    %dma_wait3A_125 = tpu.memref_slice %arg3[%dma_wait3A_123, %dma_wait3A_124] : memref<100000x1024xf32, #tpu.memory_space<hbm>> -> memref<100000x1024xf32, #tpu.memory_space<hbm>>
    tpu.wait_indirect_dma semaphore(%arg15 : memref<!tpu.dma_semaphore, #tpu.memory_space<semaphore_mem>>) src(%dma_wait3A_125 : memref<100000x1024xf32, #tpu.memory_space<hbm>>) dst(%arg9 : memref<16x1024xf32, #tpu.memory_space<vmem>>)
    %dma_start3A_126 = arith.constant 240 : i32
    %dma_start3A_127 = tpu.memref_slice %arg5[%dma_start3A_126] : memref<512xi32, #tpu.memory_space<vmem>> -> memref<16xi32, #tpu.memory_space<vmem>>
    %dma_start3A_128 = arith.constant 0 : i32
    %dma_start3A_129 = arith.constant 0 : i32
    %dma_start3A_130 = tpu.memref_slice %arg3[%dma_start3A_128, %dma_start3A_129] : memref<100000x1024xf32, #tpu.memory_space<hbm>> -> memref<100000x1024xf32, #tpu.memory_space<hbm>>
    tpu.enqueue_indirect_dma source(%dma_start3A_130 : memref<100000x1024xf32, #tpu.memory_space<hbm>>) target(%arg9 : memref<16x1024xf32, #tpu.memory_space<vmem>>) offsets(%dma_start3A_127 : memref<16xi32, #tpu.memory_space<vmem>>) semaphore(%arg15 : memref<!tpu.dma_semaphore, #tpu.memory_space<semaphore_mem>>)
    %dma_wait3A_131 = arith.constant 160 : i32
    %dma_wait3A_132 = tpu.memref_slice %arg5[%dma_wait3A_131] : memref<512xi32, #tpu.memory_space<vmem>> -> memref<16xi32, #tpu.memory_space<vmem>>
    %dma_wait3A_133 = arith.constant 0 : i32
    %dma_wait3A_134 = arith.constant 0 : i32
    %dma_wait3A_135 = tpu.memref_slice %arg3[%dma_wait3A_133, %dma_wait3A_134] : memref<100000x1024xf32, #tpu.memory_space<hbm>> -> memref<100000x1024xf32, #tpu.memory_space<hbm>>
    tpu.wait_indirect_dma semaphore(%arg16 : memref<!tpu.dma_semaphore, #tpu.memory_space<semaphore_mem>>) src(%dma_wait3A_135 : memref<100000x1024xf32, #tpu.memory_space<hbm>>) dst(%arg10 : memref<16x1024xf32, #tpu.memory_space<vmem>>)
    %dma_start3A_136 = arith.constant 256 : i32
    %dma_start3A_137 = tpu.memref_slice %arg5[%dma_start3A_136] : memref<512xi32, #tpu.memory_space<vmem>> -> memref<16xi32, #tpu.memory_space<vmem>>
    %dma_start3A_138 = arith.constant 0 : i32
    %dma_start3A_139 = arith.constant 0 : i32
    %dma_start3A_140 = tpu.memref_slice %arg3[%dma_start3A_138, %dma_start3A_139] : memref<100000x1024xf32, #tpu.memory_space<hbm>> -> memref<100000x1024xf32, #tpu.memory_space<hbm>>
    tpu.enqueue_indirect_dma source(%dma_start3A_140 : memref<100000x1024xf32, #tpu.memory_space<hbm>>) target(%arg10 : memref<16x1024xf32, #tpu.memory_space<vmem>>) offsets(%dma_start3A_137 : memref<16xi32, #tpu.memory_space<vmem>>) semaphore(%arg16 : memref<!tpu.dma_semaphore, #tpu.memory_space<semaphore_mem>>)
    %dma_wait3A_141 = arith.constant 176 : i32
    %dma_wait3A_142 = tpu.memref_slice %arg5[%dma_wait3A_141] : memref<512xi32, #tpu.memory_space<vmem>> -> memref<16xi32, #tpu.memory_space<vmem>>
    %dma_wait3A_143 = arith.constant 0 : i32
    %dma_wait3A_144 = arith.constant 0 : i32
    %dma_wait3A_145 = tpu.memref_slice %arg3[%dma_wait3A_143, %dma_wait3A_144] : memref<100000x1024xf32, #tpu.memory_space<hbm>> -> memref<100000x1024xf32, #tpu.memory_space<hbm>>
    tpu.wait_indirect_dma semaphore(%arg17 : memref<!tpu.dma_semaphore, #tpu.memory_space<semaphore_mem>>) src(%dma_wait3A_145 : memref<100000x1024xf32, #tpu.memory_space<hbm>>) dst(%arg11 : memref<16x1024xf32, #tpu.memory_space<vmem>>)
    %dma_start3A_146 = arith.constant 272 : i32
    %dma_start3A_147 = tpu.memref_slice %arg5[%dma_start3A_146] : memref<512xi32, #tpu.memory_space<vmem>> -> memref<16xi32, #tpu.memory_space<vmem>>
    %dma_start3A_148 = arith.constant 0 : i32
    %dma_start3A_149 = arith.constant 0 : i32
    %dma_start3A_150 = tpu.memref_slice %arg3[%dma_start3A_148, %dma_start3A_149] : memref<100000x1024xf32, #tpu.memory_space<hbm>> -> memref<100000x1024xf32, #tpu.memory_space<hbm>>
    tpu.enqueue_indirect_dma source(%dma_start3A_150 : memref<100000x1024xf32, #tpu.memory_space<hbm>>) target(%arg11 : memref<16x1024xf32, #tpu.memory_space<vmem>>) offsets(%dma_start3A_147 : memref<16xi32, #tpu.memory_space<vmem>>) semaphore(%arg17 : memref<!tpu.dma_semaphore, #tpu.memory_space<semaphore_mem>>)
    %dma_wait3A_151 = arith.constant 192 : i32
    %dma_wait3A_152 = tpu.memref_slice %arg5[%dma_wait3A_151] : memref<512xi32, #tpu.memory_space<vmem>> -> memref<16xi32, #tpu.memory_space<vmem>>
    %dma_wait3A_153 = arith.constant 0 : i32
    %dma_wait3A_154 = arith.constant 0 : i32
    %dma_wait3A_155 = tpu.memref_slice %arg3[%dma_wait3A_153, %dma_wait3A_154] : memref<100000x1024xf32, #tpu.memory_space<hbm>> -> memref<100000x1024xf32, #tpu.memory_space<hbm>>
    tpu.wait_indirect_dma semaphore(%arg12 : memref<!tpu.dma_semaphore, #tpu.memory_space<semaphore_mem>>) src(%dma_wait3A_155 : memref<100000x1024xf32, #tpu.memory_space<hbm>>) dst(%arg6 : memref<16x1024xf32, #tpu.memory_space<vmem>>)
    %dma_start3A_156 = arith.constant 288 : i32
    %dma_start3A_157 = tpu.memref_slice %arg5[%dma_start3A_156] : memref<512xi32, #tpu.memory_space<vmem>> -> memref<16xi32, #tpu.memory_space<vmem>>
    %dma_start3A_158 = arith.constant 0 : i32
    %dma_start3A_159 = arith.constant 0 : i32
    %dma_start3A_160 = tpu.memref_slice %arg3[%dma_start3A_158, %dma_start3A_159] : memref<100000x1024xf32, #tpu.memory_space<hbm>> -> memref<100000x1024xf32, #tpu.memory_space<hbm>>
    tpu.enqueue_indirect_dma source(%dma_start3A_160 : memref<100000x1024xf32, #tpu.memory_space<hbm>>) target(%arg6 : memref<16x1024xf32, #tpu.memory_space<vmem>>) offsets(%dma_start3A_157 : memref<16xi32, #tpu.memory_space<vmem>>) semaphore(%arg12 : memref<!tpu.dma_semaphore, #tpu.memory_space<semaphore_mem>>)
    %dma_wait3A_161 = arith.constant 208 : i32
    %dma_wait3A_162 = tpu.memref_slice %arg5[%dma_wait3A_161] : memref<512xi32, #tpu.memory_space<vmem>> -> memref<16xi32, #tpu.memory_space<vmem>>
    %dma_wait3A_163 = arith.constant 0 : i32
    %dma_wait3A_164 = arith.constant 0 : i32
    %dma_wait3A_165 = tpu.memref_slice %arg3[%dma_wait3A_163, %dma_wait3A_164] : memref<100000x1024xf32, #tpu.memory_space<hbm>> -> memref<100000x1024xf32, #tpu.memory_space<hbm>>
    tpu.wait_indirect_dma semaphore(%arg13 : memref<!tpu.dma_semaphore, #tpu.memory_space<semaphore_mem>>) src(%dma_wait3A_165 : memref<100000x1024xf32, #tpu.memory_space<hbm>>) dst(%arg7 : memref<16x1024xf32, #tpu.memory_space<vmem>>)
    %dma_start3A_166 = arith.constant 304 : i32
    %dma_start3A_167 = tpu.memref_slice %arg5[%dma_start3A_166] : memref<512xi32, #tpu.memory_space<vmem>> -> memref<16xi32, #tpu.memory_space<vmem>>
    %dma_start3A_168 = arith.constant 0 : i32
    %dma_start3A_169 = arith.constant 0 : i32
    %dma_start3A_170 = tpu.memref_slice %arg3[%dma_start3A_168, %dma_start3A_169] : memref<100000x1024xf32, #tpu.memory_space<hbm>> -> memref<100000x1024xf32, #tpu.memory_space<hbm>>
    tpu.enqueue_indirect_dma source(%dma_start3A_170 : memref<100000x1024xf32, #tpu.memory_space<hbm>>) target(%arg7 : memref<16x1024xf32, #tpu.memory_space<vmem>>) offsets(%dma_start3A_167 : memref<16xi32, #tpu.memory_space<vmem>>) semaphore(%arg13 : memref<!tpu.dma_semaphore, #tpu.memory_space<semaphore_mem>>)
    %dma_wait3A_171 = arith.constant 224 : i32
    %dma_wait3A_172 = tpu.memref_slice %arg5[%dma_wait3A_171] : memref<512xi32, #tpu.memory_space<vmem>> -> memref<16xi32, #tpu.memory_space<vmem>>
    %dma_wait3A_173 = arith.constant 0 : i32
    %dma_wait3A_174 = arith.constant 0 : i32
    %dma_wait3A_175 = tpu.memref_slice %arg3[%dma_wait3A_173, %dma_wait3A_174] : memref<100000x1024xf32, #tpu.memory_space<hbm>> -> memref<100000x1024xf32, #tpu.memory_space<hbm>>
    tpu.wait_indirect_dma semaphore(%arg14 : memref<!tpu.dma_semaphore, #tpu.memory_space<semaphore_mem>>) src(%dma_wait3A_175 : memref<100000x1024xf32, #tpu.memory_space<hbm>>) dst(%arg8 : memref<16x1024xf32, #tpu.memory_space<vmem>>)
    %dma_start3A_176 = arith.constant 320 : i32
    %dma_start3A_177 = tpu.memref_slice %arg5[%dma_start3A_176] : memref<512xi32, #tpu.memory_space<vmem>> -> memref<16xi32, #tpu.memory_space<vmem>>
    %dma_start3A_178 = arith.constant 0 : i32
    %dma_start3A_179 = arith.constant 0 : i32
    %dma_start3A_180 = tpu.memref_slice %arg3[%dma_start3A_178, %dma_start3A_179] : memref<100000x1024xf32, #tpu.memory_space<hbm>> -> memref<100000x1024xf32, #tpu.memory_space<hbm>>
    tpu.enqueue_indirect_dma source(%dma_start3A_180 : memref<100000x1024xf32, #tpu.memory_space<hbm>>) target(%arg8 : memref<16x1024xf32, #tpu.memory_space<vmem>>) offsets(%dma_start3A_177 : memref<16xi32, #tpu.memory_space<vmem>>) semaphore(%arg14 : memref<!tpu.dma_semaphore, #tpu.memory_space<semaphore_mem>>)
    %dma_wait3A_181 = arith.constant 240 : i32
    %dma_wait3A_182 = tpu.memref_slice %arg5[%dma_wait3A_181] : memref<512xi32, #tpu.memory_space<vmem>> -> memref<16xi32, #tpu.memory_space<vmem>>
    %dma_wait3A_183 = arith.constant 0 : i32
    %dma_wait3A_184 = arith.constant 0 : i32
    %dma_wait3A_185 = tpu.memref_slice %arg3[%dma_wait3A_183, %dma_wait3A_184] : memref<100000x1024xf32, #tpu.memory_space<hbm>> -> memref<100000x1024xf32, #tpu.memory_space<hbm>>
    tpu.wait_indirect_dma semaphore(%arg15 : memref<!tpu.dma_semaphore, #tpu.memory_space<semaphore_mem>>) src(%dma_wait3A_185 : memref<100000x1024xf32, #tpu.memory_space<hbm>>) dst(%arg9 : memref<16x1024xf32, #tpu.memory_space<vmem>>)
    %dma_start3A_186 = arith.constant 336 : i32
    %dma_start3A_187 = tpu.memref_slice %arg5[%dma_start3A_186] : memref<512xi32, #tpu.memory_space<vmem>> -> memref<16xi32, #tpu.memory_space<vmem>>
    %dma_start3A_188 = arith.constant 0 : i32
    %dma_start3A_189 = arith.constant 0 : i32
    %dma_start3A_190 = tpu.memref_slice %arg3[%dma_start3A_188, %dma_start3A_189] : memref<100000x1024xf32, #tpu.memory_space<hbm>> -> memref<100000x1024xf32, #tpu.memory_space<hbm>>
    tpu.enqueue_indirect_dma source(%dma_start3A_190 : memref<100000x1024xf32, #tpu.memory_space<hbm>>) target(%arg9 : memref<16x1024xf32, #tpu.memory_space<vmem>>) offsets(%dma_start3A_187 : memref<16xi32, #tpu.memory_space<vmem>>) semaphore(%arg15 : memref<!tpu.dma_semaphore, #tpu.memory_space<semaphore_mem>>)
    %dma_wait3A_191 = arith.constant 256 : i32
    %dma_wait3A_192 = tpu.memref_slice %arg5[%dma_wait3A_191] : memref<512xi32, #tpu.memory_space<vmem>> -> memref<16xi32, #tpu.memory_space<vmem>>
    %dma_wait3A_193 = arith.constant 0 : i32
    %dma_wait3A_194 = arith.constant 0 : i32
    %dma_wait3A_195 = tpu.memref_slice %arg3[%dma_wait3A_193, %dma_wait3A_194] : memref<100000x1024xf32, #tpu.memory_space<hbm>> -> memref<100000x1024xf32, #tpu.memory_space<hbm>>
    tpu.wait_indirect_dma semaphore(%arg16 : memref<!tpu.dma_semaphore, #tpu.memory_space<semaphore_mem>>) src(%dma_wait3A_195 : memref<100000x1024xf32, #tpu.memory_space<hbm>>) dst(%arg10 : memref<16x1024xf32, #tpu.memory_space<vmem>>)
    %dma_start3A_196 = arith.constant 352 : i32
    %dma_start3A_197 = tpu.memref_slice %arg5[%dma_start3A_196] : memref<512xi32, #tpu.memory_space<vmem>> -> memref<16xi32, #tpu.memory_space<vmem>>
    %dma_start3A_198 = arith.constant 0 : i32
    %dma_start3A_199 = arith.constant 0 : i32
    %dma_start3A_200 = tpu.memref_slice %arg3[%dma_start3A_198, %dma_start3A_199] : memref<100000x1024xf32, #tpu.memory_space<hbm>> -> memref<100000x1024xf32, #tpu.memory_space<hbm>>
    tpu.enqueue_indirect_dma source(%dma_start3A_200 : memref<100000x1024xf32, #tpu.memory_space<hbm>>) target(%arg10 : memref<16x1024xf32, #tpu.memory_space<vmem>>) offsets(%dma_start3A_197 : memref<16xi32, #tpu.memory_space<vmem>>) semaphore(%arg16 : memref<!tpu.dma_semaphore, #tpu.memory_space<semaphore_mem>>)
    %dma_wait3A_201 = arith.constant 272 : i32
    %dma_wait3A_202 = tpu.memref_slice %arg5[%dma_wait3A_201] : memref<512xi32, #tpu.memory_space<vmem>> -> memref<16xi32, #tpu.memory_space<vmem>>
    %dma_wait3A_203 = arith.constant 0 : i32
    %dma_wait3A_204 = arith.constant 0 : i32
    %dma_wait3A_205 = tpu.memref_slice %arg3[%dma_wait3A_203, %dma_wait3A_204] : memref<100000x1024xf32, #tpu.memory_space<hbm>> -> memref<100000x1024xf32, #tpu.memory_space<hbm>>
    tpu.wait_indirect_dma semaphore(%arg17 : memref<!tpu.dma_semaphore, #tpu.memory_space<semaphore_mem>>) src(%dma_wait3A_205 : memref<100000x1024xf32, #tpu.memory_space<hbm>>) dst(%arg11 : memref<16x1024xf32, #tpu.memory_space<vmem>>)
    %dma_start3A_206 = arith.constant 368 : i32
    %dma_start3A_207 = tpu.memref_slice %arg5[%dma_start3A_206] : memref<512xi32, #tpu.memory_space<vmem>> -> memref<16xi32, #tpu.memory_space<vmem>>
    %dma_start3A_208 = arith.constant 0 : i32
    %dma_start3A_209 = arith.constant 0 : i32
    %dma_start3A_210 = tpu.memref_slice %arg3[%dma_start3A_208, %dma_start3A_209] : memref<100000x1024xf32, #tpu.memory_space<hbm>> -> memref<100000x1024xf32, #tpu.memory_space<hbm>>
    tpu.enqueue_indirect_dma source(%dma_start3A_210 : memref<100000x1024xf32, #tpu.memory_space<hbm>>) target(%arg11 : memref<16x1024xf32, #tpu.memory_space<vmem>>) offsets(%dma_start3A_207 : memref<16xi32, #tpu.memory_space<vmem>>) semaphore(%arg17 : memref<!tpu.dma_semaphore, #tpu.memory_space<semaphore_mem>>)
    %dma_wait3A_211 = arith.constant 288 : i32
    %dma_wait3A_212 = tpu.memref_slice %arg5[%dma_wait3A_211] : memref<512xi32, #tpu.memory_space<vmem>> -> memref<16xi32, #tpu.memory_space<vmem>>
    %dma_wait3A_213 = arith.constant 0 : i32
    %dma_wait3A_214 = arith.constant 0 : i32
    %dma_wait3A_215 = tpu.memref_slice %arg3[%dma_wait3A_213, %dma_wait3A_214] : memref<100000x1024xf32, #tpu.memory_space<hbm>> -> memref<100000x1024xf32, #tpu.memory_space<hbm>>
    tpu.wait_indirect_dma semaphore(%arg12 : memref<!tpu.dma_semaphore, #tpu.memory_space<semaphore_mem>>) src(%dma_wait3A_215 : memref<100000x1024xf32, #tpu.memory_space<hbm>>) dst(%arg6 : memref<16x1024xf32, #tpu.memory_space<vmem>>)
    %dma_start3A_216 = arith.constant 384 : i32
    %dma_start3A_217 = tpu.memref_slice %arg5[%dma_start3A_216] : memref<512xi32, #tpu.memory_space<vmem>> -> memref<16xi32, #tpu.memory_space<vmem>>
    %dma_start3A_218 = arith.constant 0 : i32
    %dma_start3A_219 = arith.constant 0 : i32
    %dma_start3A_220 = tpu.memref_slice %arg3[%dma_start3A_218, %dma_start3A_219] : memref<100000x1024xf32, #tpu.memory_space<hbm>> -> memref<100000x1024xf32, #tpu.memory_space<hbm>>
    tpu.enqueue_indirect_dma source(%dma_start3A_220 : memref<100000x1024xf32, #tpu.memory_space<hbm>>) target(%arg6 : memref<16x1024xf32, #tpu.memory_space<vmem>>) offsets(%dma_start3A_217 : memref<16xi32, #tpu.memory_space<vmem>>) semaphore(%arg12 : memref<!tpu.dma_semaphore, #tpu.memory_space<semaphore_mem>>)
    %dma_wait3A_221 = arith.constant 304 : i32
    %dma_wait3A_222 = tpu.memref_slice %arg5[%dma_wait3A_221] : memref<512xi32, #tpu.memory_space<vmem>> -> memref<16xi32, #tpu.memory_space<vmem>>
    %dma_wait3A_223 = arith.constant 0 : i32
    %dma_wait3A_224 = arith.constant 0 : i32
    %dma_wait3A_225 = tpu.memref_slice %arg3[%dma_wait3A_223, %dma_wait3A_224] : memref<100000x1024xf32, #tpu.memory_space<hbm>> -> memref<100000x1024xf32, #tpu.memory_space<hbm>>
    tpu.wait_indirect_dma semaphore(%arg13 : memref<!tpu.dma_semaphore, #tpu.memory_space<semaphore_mem>>) src(%dma_wait3A_225 : memref<100000x1024xf32, #tpu.memory_space<hbm>>) dst(%arg7 : memref<16x1024xf32, #tpu.memory_space<vmem>>)
    %dma_start3A_226 = arith.constant 400 : i32
    %dma_start3A_227 = tpu.memref_slice %arg5[%dma_start3A_226] : memref<512xi32, #tpu.memory_space<vmem>> -> memref<16xi32, #tpu.memory_space<vmem>>
    %dma_start3A_228 = arith.constant 0 : i32
    %dma_start3A_229 = arith.constant 0 : i32
    %dma_start3A_230 = tpu.memref_slice %arg3[%dma_start3A_228, %dma_start3A_229] : memref<100000x1024xf32, #tpu.memory_space<hbm>> -> memref<100000x1024xf32, #tpu.memory_space<hbm>>
    tpu.enqueue_indirect_dma source(%dma_start3A_230 : memref<100000x1024xf32, #tpu.memory_space<hbm>>) target(%arg7 : memref<16x1024xf32, #tpu.memory_space<vmem>>) offsets(%dma_start3A_227 : memref<16xi32, #tpu.memory_space<vmem>>) semaphore(%arg13 : memref<!tpu.dma_semaphore, #tpu.memory_space<semaphore_mem>>)
    %dma_wait3A_231 = arith.constant 320 : i32
    %dma_wait3A_232 = tpu.memref_slice %arg5[%dma_wait3A_231] : memref<512xi32, #tpu.memory_space<vmem>> -> memref<16xi32, #tpu.memory_space<vmem>>
    %dma_wait3A_233 = arith.constant 0 : i32
    %dma_wait3A_234 = arith.constant 0 : i32
    %dma_wait3A_235 = tpu.memref_slice %arg3[%dma_wait3A_233, %dma_wait3A_234] : memref<100000x1024xf32, #tpu.memory_space<hbm>> -> memref<100000x1024xf32, #tpu.memory_space<hbm>>
    tpu.wait_indirect_dma semaphore(%arg14 : memref<!tpu.dma_semaphore, #tpu.memory_space<semaphore_mem>>) src(%dma_wait3A_235 : memref<100000x1024xf32, #tpu.memory_space<hbm>>) dst(%arg8 : memref<16x1024xf32, #tpu.memory_space<vmem>>)
    %dma_start3A_236 = arith.constant 416 : i32
    %dma_start3A_237 = tpu.memref_slice %arg5[%dma_start3A_236] : memref<512xi32, #tpu.memory_space<vmem>> -> memref<16xi32, #tpu.memory_space<vmem>>
    %dma_start3A_238 = arith.constant 0 : i32
    %dma_start3A_239 = arith.constant 0 : i32
    %dma_start3A_240 = tpu.memref_slice %arg3[%dma_start3A_238, %dma_start3A_239] : memref<100000x1024xf32, #tpu.memory_space<hbm>> -> memref<100000x1024xf32, #tpu.memory_space<hbm>>
    tpu.enqueue_indirect_dma source(%dma_start3A_240 : memref<100000x1024xf32, #tpu.memory_space<hbm>>) target(%arg8 : memref<16x1024xf32, #tpu.memory_space<vmem>>) offsets(%dma_start3A_237 : memref<16xi32, #tpu.memory_space<vmem>>) semaphore(%arg14 : memref<!tpu.dma_semaphore, #tpu.memory_space<semaphore_mem>>)
    %dma_wait3A_241 = arith.constant 336 : i32
    %dma_wait3A_242 = tpu.memref_slice %arg5[%dma_wait3A_241] : memref<512xi32, #tpu.memory_space<vmem>> -> memref<16xi32, #tpu.memory_space<vmem>>
    %dma_wait3A_243 = arith.constant 0 : i32
    %dma_wait3A_244 = arith.constant 0 : i32
    %dma_wait3A_245 = tpu.memref_slice %arg3[%dma_wait3A_243, %dma_wait3A_244] : memref<100000x1024xf32, #tpu.memory_space<hbm>> -> memref<100000x1024xf32, #tpu.memory_space<hbm>>
    tpu.wait_indirect_dma semaphore(%arg15 : memref<!tpu.dma_semaphore, #tpu.memory_space<semaphore_mem>>) src(%dma_wait3A_245 : memref<100000x1024xf32, #tpu.memory_space<hbm>>) dst(%arg9 : memref<16x1024xf32, #tpu.memory_space<vmem>>)
    %dma_start3A_246 = arith.constant 432 : i32
    %dma_start3A_247 = tpu.memref_slice %arg5[%dma_start3A_246] : memref<512xi32, #tpu.memory_space<vmem>> -> memref<16xi32, #tpu.memory_space<vmem>>
    %dma_start3A_248 = arith.constant 0 : i32
    %dma_start3A_249 = arith.constant 0 : i32
    %dma_start3A_250 = tpu.memref_slice %arg3[%dma_start3A_248, %dma_start3A_249] : memref<100000x1024xf32, #tpu.memory_space<hbm>> -> memref<100000x1024xf32, #tpu.memory_space<hbm>>
    tpu.enqueue_indirect_dma source(%dma_start3A_250 : memref<100000x1024xf32, #tpu.memory_space<hbm>>) target(%arg9 : memref<16x1024xf32, #tpu.memory_space<vmem>>) offsets(%dma_start3A_247 : memref<16xi32, #tpu.memory_space<vmem>>) semaphore(%arg15 : memref<!tpu.dma_semaphore, #tpu.memory_space<semaphore_mem>>)
    %dma_wait3A_251 = arith.constant 352 : i32
    %dma_wait3A_252 = tpu.memref_slice %arg5[%dma_wait3A_251] : memref<512xi32, #tpu.memory_space<vmem>> -> memref<16xi32, #tpu.memory_space<vmem>>
    %dma_wait3A_253 = arith.constant 0 : i32
    %dma_wait3A_254 = arith.constant 0 : i32
    %dma_wait3A_255 = tpu.memref_slice %arg3[%dma_wait3A_253, %dma_wait3A_254] : memref<100000x1024xf32, #tpu.memory_space<hbm>> -> memref<100000x1024xf32, #tpu.memory_space<hbm>>
    tpu.wait_indirect_dma semaphore(%arg16 : memref<!tpu.dma_semaphore, #tpu.memory_space<semaphore_mem>>) src(%dma_wait3A_255 : memref<100000x1024xf32, #tpu.memory_space<hbm>>) dst(%arg10 : memref<16x1024xf32, #tpu.memory_space<vmem>>)
    %dma_start3A_256 = arith.constant 448 : i32
    %dma_start3A_257 = tpu.memref_slice %arg5[%dma_start3A_256] : memref<512xi32, #tpu.memory_space<vmem>> -> memref<16xi32, #tpu.memory_space<vmem>>
    %dma_start3A_258 = arith.constant 0 : i32
    %dma_start3A_259 = arith.constant 0 : i32
    %dma_start3A_260 = tpu.memref_slice %arg3[%dma_start3A_258, %dma_start3A_259] : memref<100000x1024xf32, #tpu.memory_space<hbm>> -> memref<100000x1024xf32, #tpu.memory_space<hbm>>
    tpu.enqueue_indirect_dma source(%dma_start3A_260 : memref<100000x1024xf32, #tpu.memory_space<hbm>>) target(%arg10 : memref<16x1024xf32, #tpu.memory_space<vmem>>) offsets(%dma_start3A_257 : memref<16xi32, #tpu.memory_space<vmem>>) semaphore(%arg16 : memref<!tpu.dma_semaphore, #tpu.memory_space<semaphore_mem>>)
    %dma_wait3A_261 = arith.constant 368 : i32
    %dma_wait3A_262 = tpu.memref_slice %arg5[%dma_wait3A_261] : memref<512xi32, #tpu.memory_space<vmem>> -> memref<16xi32, #tpu.memory_space<vmem>>
    %dma_wait3A_263 = arith.constant 0 : i32
    %dma_wait3A_264 = arith.constant 0 : i32
    %dma_wait3A_265 = tpu.memref_slice %arg3[%dma_wait3A_263, %dma_wait3A_264] : memref<100000x1024xf32, #tpu.memory_space<hbm>> -> memref<100000x1024xf32, #tpu.memory_space<hbm>>
    tpu.wait_indirect_dma semaphore(%arg17 : memref<!tpu.dma_semaphore, #tpu.memory_space<semaphore_mem>>) src(%dma_wait3A_265 : memref<100000x1024xf32, #tpu.memory_space<hbm>>) dst(%arg11 : memref<16x1024xf32, #tpu.memory_space<vmem>>)
    %dma_start3A_266 = arith.constant 464 : i32
    %dma_start3A_267 = tpu.memref_slice %arg5[%dma_start3A_266] : memref<512xi32, #tpu.memory_space<vmem>> -> memref<16xi32, #tpu.memory_space<vmem>>
    %dma_start3A_268 = arith.constant 0 : i32
    %dma_start3A_269 = arith.constant 0 : i32
    %dma_start3A_270 = tpu.memref_slice %arg3[%dma_start3A_268, %dma_start3A_269] : memref<100000x1024xf32, #tpu.memory_space<hbm>> -> memref<100000x1024xf32, #tpu.memory_space<hbm>>
    tpu.enqueue_indirect_dma source(%dma_start3A_270 : memref<100000x1024xf32, #tpu.memory_space<hbm>>) target(%arg11 : memref<16x1024xf32, #tpu.memory_space<vmem>>) offsets(%dma_start3A_267 : memref<16xi32, #tpu.memory_space<vmem>>) semaphore(%arg17 : memref<!tpu.dma_semaphore, #tpu.memory_space<semaphore_mem>>)
    %dma_wait3A_271 = arith.constant 384 : i32
    %dma_wait3A_272 = tpu.memref_slice %arg5[%dma_wait3A_271] : memref<512xi32, #tpu.memory_space<vmem>> -> memref<16xi32, #tpu.memory_space<vmem>>
    %dma_wait3A_273 = arith.constant 0 : i32
    %dma_wait3A_274 = arith.constant 0 : i32
    %dma_wait3A_275 = tpu.memref_slice %arg3[%dma_wait3A_273, %dma_wait3A_274] : memref<100000x1024xf32, #tpu.memory_space<hbm>> -> memref<100000x1024xf32, #tpu.memory_space<hbm>>
    tpu.wait_indirect_dma semaphore(%arg12 : memref<!tpu.dma_semaphore, #tpu.memory_space<semaphore_mem>>) src(%dma_wait3A_275 : memref<100000x1024xf32, #tpu.memory_space<hbm>>) dst(%arg6 : memref<16x1024xf32, #tpu.memory_space<vmem>>)
    %dma_start3A_276 = arith.constant 480 : i32
    %dma_start3A_277 = tpu.memref_slice %arg5[%dma_start3A_276] : memref<512xi32, #tpu.memory_space<vmem>> -> memref<16xi32, #tpu.memory_space<vmem>>
    %dma_start3A_278 = arith.constant 0 : i32
    %dma_start3A_279 = arith.constant 0 : i32
    %dma_start3A_280 = tpu.memref_slice %arg3[%dma_start3A_278, %dma_start3A_279] : memref<100000x1024xf32, #tpu.memory_space<hbm>> -> memref<100000x1024xf32, #tpu.memory_space<hbm>>
    tpu.enqueue_indirect_dma source(%dma_start3A_280 : memref<100000x1024xf32, #tpu.memory_space<hbm>>) target(%arg6 : memref<16x1024xf32, #tpu.memory_space<vmem>>) offsets(%dma_start3A_277 : memref<16xi32, #tpu.memory_space<vmem>>) semaphore(%arg12 : memref<!tpu.dma_semaphore, #tpu.memory_space<semaphore_mem>>)
    %dma_wait3A_281 = arith.constant 400 : i32
    %dma_wait3A_282 = tpu.memref_slice %arg5[%dma_wait3A_281] : memref<512xi32, #tpu.memory_space<vmem>> -> memref<16xi32, #tpu.memory_space<vmem>>
    %dma_wait3A_283 = arith.constant 0 : i32
    %dma_wait3A_284 = arith.constant 0 : i32
    %dma_wait3A_285 = tpu.memref_slice %arg3[%dma_wait3A_283, %dma_wait3A_284] : memref<100000x1024xf32, #tpu.memory_space<hbm>> -> memref<100000x1024xf32, #tpu.memory_space<hbm>>
    tpu.wait_indirect_dma semaphore(%arg13 : memref<!tpu.dma_semaphore, #tpu.memory_space<semaphore_mem>>) src(%dma_wait3A_285 : memref<100000x1024xf32, #tpu.memory_space<hbm>>) dst(%arg7 : memref<16x1024xf32, #tpu.memory_space<vmem>>)
    %dma_start3A_286 = arith.constant 496 : i32
    %dma_start3A_287 = tpu.memref_slice %arg5[%dma_start3A_286] : memref<512xi32, #tpu.memory_space<vmem>> -> memref<16xi32, #tpu.memory_space<vmem>>
    %dma_start3A_288 = arith.constant 0 : i32
    %dma_start3A_289 = arith.constant 0 : i32
    %dma_start3A_290 = tpu.memref_slice %arg3[%dma_start3A_288, %dma_start3A_289] : memref<100000x1024xf32, #tpu.memory_space<hbm>> -> memref<100000x1024xf32, #tpu.memory_space<hbm>>
    tpu.enqueue_indirect_dma source(%dma_start3A_290 : memref<100000x1024xf32, #tpu.memory_space<hbm>>) target(%arg7 : memref<16x1024xf32, #tpu.memory_space<vmem>>) offsets(%dma_start3A_287 : memref<16xi32, #tpu.memory_space<vmem>>) semaphore(%arg13 : memref<!tpu.dma_semaphore, #tpu.memory_space<semaphore_mem>>)
    %dma_wait3A_291 = arith.constant 416 : i32
    %dma_wait3A_292 = tpu.memref_slice %arg5[%dma_wait3A_291] : memref<512xi32, #tpu.memory_space<vmem>> -> memref<16xi32, #tpu.memory_space<vmem>>
    %dma_wait3A_293 = arith.constant 0 : i32
    %dma_wait3A_294 = arith.constant 0 : i32
    %dma_wait3A_295 = tpu.memref_slice %arg3[%dma_wait3A_293, %dma_wait3A_294] : memref<100000x1024xf32, #tpu.memory_space<hbm>> -> memref<100000x1024xf32, #tpu.memory_space<hbm>>
    tpu.wait_indirect_dma semaphore(%arg14 : memref<!tpu.dma_semaphore, #tpu.memory_space<semaphore_mem>>) src(%dma_wait3A_295 : memref<100000x1024xf32, #tpu.memory_space<hbm>>) dst(%arg8 : memref<16x1024xf32, #tpu.memory_space<vmem>>)
    %dma_wait3A_296 = arith.constant 432 : i32
    %dma_wait3A_297 = tpu.memref_slice %arg5[%dma_wait3A_296] : memref<512xi32, #tpu.memory_space<vmem>> -> memref<16xi32, #tpu.memory_space<vmem>>
    %dma_wait3A_298 = arith.constant 0 : i32
    %dma_wait3A_299 = arith.constant 0 : i32
    %dma_wait3A_300 = tpu.memref_slice %arg3[%dma_wait3A_298, %dma_wait3A_299] : memref<100000x1024xf32, #tpu.memory_space<hbm>> -> memref<100000x1024xf32, #tpu.memory_space<hbm>>
    tpu.wait_indirect_dma semaphore(%arg15 : memref<!tpu.dma_semaphore, #tpu.memory_space<semaphore_mem>>) src(%dma_wait3A_300 : memref<100000x1024xf32, #tpu.memory_space<hbm>>) dst(%arg9 : memref<16x1024xf32, #tpu.memory_space<vmem>>)
    %dma_wait3A_301 = arith.constant 448 : i32
    %dma_wait3A_302 = tpu.memref_slice %arg5[%dma_wait3A_301] : memref<512xi32, #tpu.memory_space<vmem>> -> memref<16xi32, #tpu.memory_space<vmem>>
    %dma_wait3A_303 = arith.constant 0 : i32
    %dma_wait3A_304 = arith.constant 0 : i32
    %dma_wait3A_305 = tpu.memref_slice %arg3[%dma_wait3A_303, %dma_wait3A_304] : memref<100000x1024xf32, #tpu.memory_space<hbm>> -> memref<100000x1024xf32, #tpu.memory_space<hbm>>
    tpu.wait_indirect_dma semaphore(%arg16 : memref<!tpu.dma_semaphore, #tpu.memory_space<semaphore_mem>>) src(%dma_wait3A_305 : memref<100000x1024xf32, #tpu.memory_space<hbm>>) dst(%arg10 : memref<16x1024xf32, #tpu.memory_space<vmem>>)
    %dma_wait3A_306 = arith.constant 464 : i32
    %dma_wait3A_307 = tpu.memref_slice %arg5[%dma_wait3A_306] : memref<512xi32, #tpu.memory_space<vmem>> -> memref<16xi32, #tpu.memory_space<vmem>>
    %dma_wait3A_308 = arith.constant 0 : i32
    %dma_wait3A_309 = arith.constant 0 : i32
    %dma_wait3A_310 = tpu.memref_slice %arg3[%dma_wait3A_308, %dma_wait3A_309] : memref<100000x1024xf32, #tpu.memory_space<hbm>> -> memref<100000x1024xf32, #tpu.memory_space<hbm>>
    tpu.wait_indirect_dma semaphore(%arg17 : memref<!tpu.dma_semaphore, #tpu.memory_space<semaphore_mem>>) src(%dma_wait3A_310 : memref<100000x1024xf32, #tpu.memory_space<hbm>>) dst(%arg11 : memref<16x1024xf32, #tpu.memory_space<vmem>>)
    %dma_wait3A_311 = arith.constant 480 : i32
    %dma_wait3A_312 = tpu.memref_slice %arg5[%dma_wait3A_311] : memref<512xi32, #tpu.memory_space<vmem>> -> memref<16xi32, #tpu.memory_space<vmem>>
    %dma_wait3A_313 = arith.constant 0 : i32
    %dma_wait3A_314 = arith.constant 0 : i32
    %dma_wait3A_315 = tpu.memref_slice %arg3[%dma_wait3A_313, %dma_wait3A_314] : memref<100000x1024xf32, #tpu.memory_space<hbm>> -> memref<100000x1024xf32, #tpu.memory_space<hbm>>
    tpu.wait_indirect_dma semaphore(%arg12 : memref<!tpu.dma_semaphore, #tpu.memory_space<semaphore_mem>>) src(%dma_wait3A_315 : memref<100000x1024xf32, #tpu.memory_space<hbm>>) dst(%arg6 : memref<16x1024xf32, #tpu.memory_space<vmem>>)
    %dma_wait3A_316 = arith.constant 496 : i32
    %dma_wait3A_317 = tpu.memref_slice %arg5[%dma_wait3A_316] : memref<512xi32, #tpu.memory_space<vmem>> -> memref<16xi32, #tpu.memory_space<vmem>>
    %dma_wait3A_318 = arith.constant 0 : i32
    %dma_wait3A_319 = arith.constant 0 : i32
    %dma_wait3A_320 = tpu.memref_slice %arg3[%dma_wait3A_318, %dma_wait3A_319] : memref<100000x1024xf32, #tpu.memory_space<hbm>> -> memref<100000x1024xf32, #tpu.memory_space<hbm>>
    tpu.wait_indirect_dma semaphore(%arg13 : memref<!tpu.dma_semaphore, #tpu.memory_space<semaphore_mem>>) src(%dma_wait3A_320 : memref<100000x1024xf32, #tpu.memory_space<hbm>>) dst(%arg7 : memref<16x1024xf32, #tpu.memory_space<vmem>>)
    return
  }
}

</mosaic_0001>

<sc_bundles>
// kernel: kernel.3.cloned.1.call-start
scs
__scs_entry_jumppad:
0x0: {  	(pc) =	sbr.rel $0x88, $3  }
0x1: {  	(tag) =	ssettag $0x0;
	lr =	simm.s32 $0x1  }
0x2: {  	[smem:$0x3F9F] =	sst lr;
	_ =	strace $0xD0000000  }
0x3: {  	_ = 	snop  }
0x4: {  	_ = 	snop  }
0x5: {  	_ = 	snop  }
0x6: {  	_ = 	snop  }
0x7: {  	_ = 	snop  }
__scs_overlays_trampoline_lowered:
0x8: {  	[smem:$0x3FAE] =	sst s0  }
0x9: {  	[smem:$0x3FAF] =	sst s1  }
0xa: {  	[smem:$0x3FB0] =	sst s2  }
0xb: {  	[smem:$0x3FB1] =	sst s3  }
0xc: {  	[smem:$0x3FB2] =	sst s4  }
0xd: {  	[smem:$0x3FB3] =	sst s5  }
0xe: {  	[smem:$0x3FB4] =	sst s6  }
0xf: {  	[smem:$0x3FB5] =	sst s7  }
0x10: {  	[smem:$0x3FB6] =	sst s8  }
0x11: {  	[smem:$0x3FB7] =	sst s9;
	s0 =	simm.s32 @!p0 $0x0  }
0x12: {  	s1 =	sld [smem:$0x3F9D];
	s0 =	simm.s32 @p0 $0x1  }
0x13: {  	[smem:$0x3FB8] =	sst s0;
	s0 =	simm.s32 @!p1 $0x0  }
0x14: {  	s2 =	sld [smem:$0x3F9C];
	s0 =	simm.s32 @p1 $0x1  }
0x15: {  	[smem:$0x3FB9] =	sst s0;
	s0 =	simm.s32 @!p2 $0x0  }
0x16: {  	s3 =	sld [smem:$0x3FDB];
	s0 =	simm.s32 @p2 $0x1  }
0x17: {  	s4 =	simm.s32 $0x1BF5;
	[smem:$0x3FBB] =	sst s0  }
0x18: {  	s0 =	sld [smem:$0x3F9E];
	_ =	swait.ge [sflag:s4], $0x0  }
0x19: {  	s7 =	sld [smem:$0x3F9F]  }
0x1a: {  	s8 =	sadd.s32 $0xFFFFE003, lr  }
0x1b: {  	s9 =	sadd.s32 $0xFFFFFEF7, lr;
	s5 =	simm.s32 $0xFFFFFFFF;
	p2 =	slt.u32 s8, $0xFFFFF086  }
0x1c: {  	p1 =	slt.u32 s9, $0xF7A;
	s5 =	simm.s32 @!p2 $0x0  }
0x1d: {  	s5 =	simm.s32 @p1 $0x1;
	p0 =	seq.s32 s7, s2  }
0x1e: {  	s7 =	smul.u32 @!p0 $0xF7A, s2;
	p2 =	seq.s32 @!p0 s5, $0x0  }
0x1f: {  	s9 =	smul.u32 $0xF7A, s1;
	s8 =	simm.s32 @!p0 $0x1BF5;
	p2 =	por !p2, p0  }
0x20: {  	[sflag:s8] =	ssyncset.s32 @!p0 $0xFFFFF086;
	s6 =	sadd.s32 @!p0 s3, s7;
	s7 =	simm.s32 @!p0 $0x108  }
0x21: {  	s3 =	sadd.s32 s3, s9;
	s6 =	sadd.s32 @!p0 $0x88, s6;
	s7 =	simm.s32 @p2 $0x1082  }
0x22: {  	[simem:s7], [sflag:s8] =	dma.local @!p0 [hbm:s6], $0xF7A  }
0x23: {  	s9 =	sor.u32 $0xD0000000, s2;
	s6 =	simm.s32 $0x108;
	_ =	swait.ge @!p0 [sflag:s8], $0x0  }
0x24: {  	s3 =	sadd.s32 $0x88, s3;
	s6 =	simm.s32 @!p1 $0x1082;
	[sflag:s4] =	ssyncset.s32 $0xFFFFF086  }
0x25: {  	[simem:s6], [sflag:s4] =	dma.local [hbm:s3], $0xF7A  }
0x26: {  	[smem:$0x3F9F] =	sst s1;
	(tag) =	ssettag s2;
	_ =	strace s9  }
0x27: {  	s1 =	sld [smem:$0x3FAF]  }
0x28: {  	s2 =	sld [smem:$0x3FB0]  }
0x29: {  	s4 =	sld [smem:$0x3FB2]  }
0x2a: {  	p0 =	seq.s32 s5, $0x0;
	s5 =	sld [smem:$0x3FB3]  }
0x2b: {  	s6 =	sld [smem:$0x3FB4]  }
0x2c: {  	s7 =	sld [smem:$0x3FB5]  }
0x2d: {  	s3 =	simm.s32 $0x108;
	s8 =	sld [smem:$0x3FB6]  }
0x2e: {  	s3 =	simm.s32 @!p0 $0x1082;
	s9 =	sld [smem:$0x3FB7]  }
0x2f: {  	lr =	sadd.s32 s0, s3;
	s0 =	sld [smem:$0x3FAE]  }
0x30: {  	s3 =	sld [smem:$0x3FB1]  }
0x31: {  	[smem:$0x3FBA] =	sst s10  }
0x32: {  	s10 =	sld [smem:$0x3FB8];
	_ =	sdelay $0x3  }
0x33: {  	p0 =	seq.s32 s10, $0x1;
	s10 =	sld [smem:$0x3FBA];
	_ =	sdelay $0x3  }
0x34: {  	[smem:$0x3FBA] =	sst s10  }
0x35: {  	s10 =	sld [smem:$0x3FB9];
	_ =	sdelay $0x3  }
0x36: {  	p1 =	seq.s32 s10, $0x1;
	s10 =	sld [smem:$0x3FBA];
	_ =	sdelay $0x3  }
0x37: {  	[smem:$0x3FBA] =	sst s10  }
0x38: {  	s10 =	sld [smem:$0x3FBB]  }
0x39: {  	_ = 	snop;
	(pc) =	sbr.ind lr, $3  }
0x3a: {  	_ = 	snop  }
0x3b: {  	_ = 	snop  }
0x3c: {  	p2 =	seq.s32 s10, $0x1;
	s10 =	sld [smem:$0x3FBA]  }
0x3d: {  	_ =	shalt  }
0x3e: {  	_ =	shalt  }
0x3f: {  	_ =	shalt  }
0x40: {  	_ =	shalt  }
0x41: {  	_ =	shalt  }
0x42: {  	_ =	shalt  }
0x43: {  	_ =	shalt  }
0x44: {  	_ =	shalt  }
0x45: {  	_ =	shalt  }
0x46: {  	_ =	shalt  }
0x47: {  	_ =	shalt  }
0x48: {  	_ =	shalt  }
0x49: {  	_ =	shalt  }
0x4a: {  	_ =	shalt  }
0x4b: {  	_ =	shalt  }
0x4c: {  	_ =	shalt  }
0x4d: {  	_ =	shalt  }
0x4e: {  	_ =	shalt  }
0x4f: {  	_ =	shalt  }
0x50: {  	_ =	shalt  }
0x51: {  	_ =	shalt  }
0x52: {  	_ =	shalt  }
0x53: {  	_ =	shalt  }
0x54: {  	_ =	shalt  }
0x55: {  	_ =	shalt  }
0x56: {  	_ =	shalt  }
0x57: {  	_ =	shalt  }
0x58: {  	_ =	shalt  }
0x59: {  	_ =	shalt  }
0x5a: {  	_ =	shalt  }
0x5b: {  	_ =	shalt  }
0x5c: {  	_ =	shalt  }
0x5d: {  	_ =	shalt  }
0x5e: {  	_ =	shalt  }
0x5f: {  	_ =	shalt  }
0x60: {  	_ =	shalt  }
0x61: {  	_ =	shalt  }
0x62: {  	_ =	shalt  }
0x63: {  	_ =	shalt  }
0x64: {  	_ =	shalt  }
0x65: {  	_ =	shalt  }
0x66: {  	_ =	shalt  }
0x67: {  	_ =	shalt  }
0x68: {  	_ =	shalt  }
0x69: {  	_ =	shalt  }
0x6a: {  	_ =	shalt  }
0x6b: {  	_ =	shalt  }
0x6c: {  	_ =	shalt  }
0x6d: {  	_ =	shalt  }
0x6e: {  	_ =	shalt  }
0x6f: {  	_ =	shalt  }
0x70: {  	_ =	shalt  }
0x71: {  	_ =	shalt  }
0x72: {  	_ =	shalt  }
0x73: {  	_ =	shalt  }
0x74: {  	_ =	shalt  }
0x75: {  	_ =	shalt  }
0x76: {  	_ =	shalt  }
0x77: {  	_ =	shalt  }
0x78: {  	_ =	shalt  }
0x79: {  	_ =	shalt  }
0x7a: {  	_ =	shalt  }
0x7b: {  	_ =	shalt  }
0x7c: {  	_ =	shalt  }
0x7d: {  	_ =	shalt  }
0x7e: {  	_ =	shalt  }
0x7f: {  	_ =	shalt  }
0x80: {  	_ =	shalt  }
0x81: {  	_ =	shalt  }
0x82: {  	_ =	shalt  }
0x83: {  	_ =	shalt  }
0x84: {  	_ =	shalt  }
0x85: {  	_ =	shalt  }
0x86: {  	_ =	shalt  }
0x87: {  	_ =	shalt  }
.Lfunc_end0:
.L_simem_size_0:
called_computation_lowered:
.L_overlay_start_0:
0x88: {  	s2 =	sld [smem:$0x3FD9]  }
0x89: {  	s3 =	sld [smem:$0x3FFE];
	_ =	sdelay $0x1  }
0x8a: {  	s1 =	srdreg.scid  }
0x8b: {  	s0 =	sand.u32 $0x1, s1  }
0x8c: {  	s17 =	sshll.u32 s0, $0xA;
	s2 =	sadd.s32 s3, s2  }
0x8d: {  	s2 =	sadd.s32 s2, s17  }
0x8e: {  	[smem:$0x3FC6] =	sst s2  }
0x8f: {  	_ = 	snop  }
0x90: {  	s2 =	sld [smem:$0x3FC8];
	(tm) =	ssettm $0x1  }
0x91: {  	s18 =	sld [smem:$0x3FFB];
	_ =	sdelay $0x3  }
0x92: {  	_ =	strace s18  }
0x93: {  	s3 =	sld [smem:$0x3FFC];
	_ =	sdelay $0x3  }
0x94: {  	_ =	strace s3  }
0x95: {  	s3 =	sld [smem:$0x3FFD];
	_ =	sdelay $0x3  }
0x96: {  	_ =	strace s3  }
0x97: {  	_ =	strace $0x8FFFFFFF  }
0x98: {  	s19 =	sld [smem:$0x3FDB];
	_ =	sdelay $0x1  }
0x99: {  	s4 =	simm.s32 $_scs_section_size  }
0x9a: {  	s5 =	simm.s32 $_size__tile_overlayer_lowered;
	s6 =	simm.s32 $_tile_overlayer_lowered  }
0x9b: {  	s22 =	simm.s32 $0x1BFF;
	s21 =	sshll.u32 s6, $0x1;
	s3 =	sadd.s32 s4, s19  }
0x9c: {  	s7 =	simm.s32 $0x0;
	s20 =	sshll.u32 s5, $0x1;
	s5 =	sadd.s32 s21, s3  }
0x9d: {  	[timem:s7], [sflag:s22] =	dma.local [hbm:s5], s20  }
0x9e: {  	_ =	swait.ge [sflag:s22], s20  }
0x9f: {  	s4 =	ssub.s32 $0x0, s20;
	[sflag:s22] =	ssyncset.done $0x0  }
0xa0: {  	[sflag:s22] =	ssyncadd.s32 s4;
	_ =	sdelay $0x1  }
0xa1: {  	s23 =	simm.s32 $0x1B8B  }
0xa2: {  	_ =	swait.ge [sflag:s23], $0x1  }
0xa3: {  	[sflag:s23] =	ssyncset.done $0x0  }
0xa4: {  	s25 =	simm.s32 $0x1B8E;
	s24 =	sld [smem:$0x3FFE];
	[sflag:s23] =	ssyncadd.s32 $0xFFFFFFFF  }
0xa5: {  	s26 =	simm.s32 $execute0_lowered;
	[smem:$0x3FD2] =	sst s25  }
0xa6: {  	s5 =	sshll.u32 s26, $0x1;
	_ =	strace $0x80000046;
	[dreg:$0x1] =	wrdreg $0xFFFFFFFF  }
0xa7: {  	s28 =	simm.s32 $_size_execute0_lowered;
	s3 =	sadd.s32 s3, s5;
	[dreg:$0x0] =	wrdreg $0x0  }
0xa8: {  	s5 =	sshll.u32 s28, $0x1;
	[dreg:$0x2] =	wrdreg s3  }
0xa9: {  	[dreg:$0x3] =	wrdreg s5  }
0xaa: {  	[dreg:$0x4] =	wrdreg $0xC0  }
0xab: {  	_ =	task [dreg:s7], $0x5FFFF  }
0xac: {  	[dreg:$0x1] =	wrdreg $0xFFFFFFFF  }
0xad: {  	[dreg:$0x0] =	wrdreg $0x60  }
0xae: {  	[dreg:$0x2] =	wrdreg s24  }
0xaf: {  	[dreg:$0x3] =	wrdreg s2  }
0xb0: {  	[dreg:$0x4] =	wrdreg $0x9  }
0xb1: {  	_ =	task.clear_ibuf [dreg:s7], $0x5FFFF;
	_ =	strace $0x90000046  }
0xb2: {  	s29 =	simm.s32 $0x9;
	_ =	strace $0x80000048  }
0xb3: {  	_ =	swait.ge [sflag:s29], $0x1  }
0xb4: {  	[sflag:s29] =	ssyncadd.s32 $0xFFFFFFFF  }
0xb5: {  	_ =	strace $0x90000048  }
0xb6: {  	_ =	sfence  }
0xb7: {  	s30 =	sld [smem:$0x0];
	_ =	sdelay $0x2  }
0xb8: {  	s31 =	sshll.u32 s1, $0xD;
	s1 =	sshrl.u32 s1, $0x2  }
0xb9: {  	s3 =	sand.u32 $0x4000, s31;
	s1 =	sadd.s32 s1, s30  }
0xba: {  	s0 =	sor.u32 s3, s0;
	s1 =	sshll.u32 s1, $0x11  }
0xbb: {  	s0 =	sor.u32 s1, s0  }
0xbc: {  	s0 =	sadd.s32 $0x8F2B, s0  }
0xbd: {  	[sflag:s0] =	ssyncadd.remote.s32 $0x1  }
0xbe: {  	_ =	sfence.sel $0xFFFF  }
0xbf: {  	[dreg:$0x0] =	wrdreg $0xFFFFFFFF;
	(pc) =	sbr.abs _section_cstart, $3  }
0xc0: {  	[dreg:$0x1] =	wrdreg $0xFFFFFFFF  }
0xc1: {  	_ =	task.clear_ibuf [dreg:s7], $0x2FFFF;
	_ =	strace $0x9FFFFFFF  }
0xc2: {  	(tm) =	ssettm $0x7FFFFFFF  }
0xc3: {  	_ =	shalt  }
tec
execute0_lowered:
.L_overlay_start_1:
0x0: {  	(tag) =	ssettag $0x1  }
0x1: {  	s0 =	rddreg [dreg:$0x0]  }
0x2: {  	s1 =	rddreg [dreg:$0x1];
	s2 =	srdreg.scid  }
0x3: {  	s3 =	simm.s32 $0x0;
	s5 =	stileid.u32;
	s31 =	simm.s32 $0x1  }
0x4: {  	s8 =	simm.s32 $0x4;
	s25 =	simm.s32 $0x5;
	s26 =	simm.s32 $0x6  }
0x5: {  	s2 =	sand.u32 $0x1, s2;
	s29 =	sshll.u32 s5, $0x7;
	[smem:$0x7FF] =	sst s3  }
0x6: {  	s5 =	sadd.s32 $0x200, s1;
	s4 =	sshll.u32 s2, $0x6;
	s2 =	ssub.s32 $0x2, s2  }
0x7: {  	s6 =	sadd.s32 $0x300, s1;
	s0 =	sadd.s32 s4, s0;
	s30 =	sshrl.u32 s2, $0x1  }
0x8: {  	v2 =	vlaneseq.u32;
	_ =	strace $0x80000047;
	s0 =	sadd.s32 s29, s0;
	s2 =	ssub.s32 s2, s30  }
0x9: {  	vm0 =	vmmov $0xffff;
	v1 =	vshrl.u32 v2, $0x3;
	s4 =	sadd.s32 $0x100, s1;
	s0 =	sadd.s32 $0x400, s0;
	s7 =	smax.u32 s2, $0x1  }
0xa: {  	v0 =	vand.u32 $0x7, v2;
	v2 =	vor.u32 $0x8, v2;
	v1 =	vmul.u32 $0x8, v1;
	s2 =	simm.s32 $0x3;
	[dreg:$0x3] =	wrdreg s0;
	s0 =	simm.s32 $0x2  }
.LBB2_1:
0xb: {  	[dreg:$0x4] =	wrdreg s7  }
0xc: {  	s28 =	rddreg [dreg:$0x3];
	s10 =	simm.s32 $0x7  }
0xd: {  	[tilespmem:s3], [sflag:$0x7] =	stream.linear.gather [hbm4b:s28+s3], $0x200, $0x38;
	[tilespmem:$0x18200] =	vst v63  }
0xe: {  	_ =	swait.ge [sflag:s10], $0x200  }
0xf: {  	[sflag:s10] =	ssyncset.done $0x0  }
0x10: {  	[sflag:s10] =	ssyncadd.s32 $0xFFFFFE00  }
0x11: {  	v3 =	vld [tilespmem:$0x0];
	_ =	sdelay $0x4  }
0x12: {  	v4 =	vshll.u32 v3, $0x3  }
0x13: {  	v3 =	vand.u32 $0x7, v3;
	v4 =	vand.u32 $0xFFFFFFC0, v4  }
0x14: {  	v3 =	vor.u32 v3, v4  }
0x15: {  	v4 =	vperm.xlane v3, v0;
	_ =	sdelay $0x1  }
0x16: {  	v4 =	vadd.s32 v1, v4;
	_ =	sdelay $0x3  }
0x17: {  	s11 =	simm.s32 $0x200  }
0x18: {  	[tilespmem:s11], [sflag:$0x1] =	stream.indirect_vreg.gather [hbm4b:s1+s3], $0x80, v4, vm0, $0xb8;
	[tilespmem:$0x18200] =	vst v63  }
0x19: {  	s12 =	simm.s32 $0xA00;
	v3 =	vperm.xlane v3, v2  }
0x1a: {  	[tilespmem:s12], [sflag:$0x1] =	stream.indirect_vreg.gather [hbm4b:s4+s3], $0x80, v4, vm0, $0xb8;
	[tilespmem:$0x18200] =	vst v63  }
0x1b: {  	s13 =	simm.s32 $0x1200;
	v3 =	vadd.s32 v1, v3  }
0x1c: {  	[tilespmem:s13], [sflag:$0x1] =	stream.indirect_vreg.gather [hbm4b:s5+s3], $0x80, v4, vm0, $0xb8;
	[tilespmem:$0x18200] =	vst v63  }
0x1d: {  	s14 =	simm.s32 $0x1A00  }
0x1e: {  	[tilespmem:s14], [sflag:$0x1] =	stream.indirect_vreg.gather [hbm4b:s6+s3], $0x80, v4, vm0, $0xb8;
	[tilespmem:$0x18200] =	vst v63  }
0x1f: {  	s15 =	simm.s32 $0x2200  }
0x20: {  	[tilespmem:s15], [sflag:$0x1] =	stream.indirect_vreg.gather [hbm4b:s1+s3], $0x80, v3, vm0, $0xb8;
	[tilespmem:$0x18200] =	vst v63  }
0x21: {  	s17 =	simm.s32 $0x2A00  }
0x22: {  	[tilespmem:s17], [sflag:$0x1] =	stream.indirect_vreg.gather [hbm4b:s4+s3], $0x80, v3, vm0, $0xb8;
	[tilespmem:$0x18200] =	vst v63  }
0x23: {  	s18 =	simm.s32 $0x3200  }
0x24: {  	[tilespmem:s18], [sflag:$0x1] =	stream.indirect_vreg.gather [hbm4b:s5+s3], $0x80, v3, vm0, $0xb8;
	[tilespmem:$0x18200] =	vst v63  }
0x25: {  	s19 =	simm.s32 $0x3A00  }
0x26: {  	[tilespmem:s19], [sflag:$0x1] =	stream.indirect_vreg.gather [hbm4b:s6+s3], $0x80, v3, vm0, $0xb8;
	[tilespmem:$0x18200] =	vst v63  }
0x27: {  	v3 =	vld [tilespmem:$0x10];
	_ =	sdelay $0x4  }
0x28: {  	v33 =	vshll.u32 v3, $0x3  }
0x29: {  	v3 =	vand.u32 $0x7, v3;
	v4 =	vand.u32 $0xFFFFFFC0, v33  }
0x2a: {  	v3 =	vor.u32 v3, v4  }
0x2b: {  	v4 =	vperm.xlane v3, v0;
	_ =	sdelay $0x1  }
0x2c: {  	v4 =	vadd.s32 v1, v4;
	_ =	sdelay $0x3  }
0x2d: {  	s9 =	simm.s32 $0x4200  }
0x2e: {  	[tilespmem:s9], [sflag:$0x2] =	stream.indirect_vreg.gather [hbm4b:s1+s3], $0x80, v4, vm0, $0xb8;
	[tilespmem:$0x18200] =	vst v63  }
0x2f: {  	s20 =	simm.s32 $0x4A00;
	v3 =	vperm.xlane v3, v2  }
0x30: {  	[tilespmem:s20], [sflag:$0x2] =	stream.indirect_vreg.gather [hbm4b:s4+s3], $0x80, v4, vm0, $0xb8;
	[tilespmem:$0x18200] =	vst v63  }
0x31: {  	s21 =	simm.s32 $0x5200;
	v3 =	vadd.s32 v1, v3  }
0x32: {  	[tilespmem:s21], [sflag:$0x2] =	stream.indirect_vreg.gather [hbm4b:s5+s3], $0x80, v4, vm0, $0xb8;
	[tilespmem:$0x18200] =	vst v63  }
0x33: {  	s22 =	simm.s32 $0x5A00  }
0x34: {  	[tilespmem:s22], [sflag:$0x2] =	stream.indirect_vreg.gather [hbm4b:s6+s3], $0x80, v4, vm0, $0xb8;
	[tilespmem:$0x18200] =	vst v63  }
0x35: {  	s23 =	simm.s32 $0x6200  }
0x36: {  	[tilespmem:s23], [sflag:$0x2] =	stream.indirect_vreg.gather [hbm4b:s1+s3], $0x80, v3, vm0, $0xb8;
	[tilespmem:$0x18200] =	vst v63  }
0x37: {  	s24 =	simm.s32 $0x6A00  }
0x38: {  	[tilespmem:s24], [sflag:$0x2] =	stream.indirect_vreg.gather [hbm4b:s4+s3], $0x80, v3, vm0, $0xb8;
	[tilespmem:$0x18200] =	vst v63  }
0x39: {  	s28 =	simm.s32 $0x7200  }
0x3a: {  	[tilespmem:s28], [sflag:$0x2] =	stream.indirect_vreg.gather [hbm4b:s5+s3], $0x80, v3, vm0, $0xb8;
	[tilespmem:$0x18200] =	vst v63  }
0x3b: {  	s29 =	simm.s32 $0x7A00  }
0x3c: {  	[tilespmem:s29], [sflag:$0x2] =	stream.indirect_vreg.gather [hbm4b:s6+s3], $0x80, v3, vm0, $0xb8;
	[tilespmem:$0x18200] =	vst v63  }
0x3d: {  	v3 =	vld [tilespmem:$0x20];
	_ =	sdelay $0x4  }
0x3e: {  	v34 =	vshll.u32 v3, $0x3  }
0x3f: {  	v3 =	vand.u32 $0x7, v3;
	v4 =	vand.u32 $0xFFFFFFC0, v34  }
0x40: {  	v3 =	vor.u32 v3, v4  }
0x41: {  	v4 =	vperm.xlane v3, v0;
	_ =	sdelay $0x1  }
0x42: {  	v4 =	vadd.s32 v1, v4;
	_ =	sdelay $0x3  }
0x43: {  	s30 =	simm.s32 $0x8200  }
0x44: {  	[tilespmem:s30], [sflag:$0x3] =	stream.indirect_vreg.gather [hbm4b:s1+s3], $0x80, v4, vm0, $0xb8;
	[tilespmem:$0x18200] =	vst v63  }
0x45: {  	s20 =	simm.s32 $0x8A00;
	v3 =	vperm.xlane v3, v2  }
0x46: {  	[tilespmem:s20], [sflag:$0x3] =	stream.indirect_vreg.gather [hbm4b:s4+s3], $0x80, v4, vm0, $0xb8;
	[tilespmem:$0x18200] =	vst v63  }
0x47: {  	s21 =	simm.s32 $0x9200;
	v3 =	vadd.s32 v1, v3  }
0x48: {  	[tilespmem:s21], [sflag:$0x3] =	stream.indirect_vreg.gather [hbm4b:s5+s3], $0x80, v4, vm0, $0xb8;
	[tilespmem:$0x18200] =	vst v63  }
0x49: {  	s22 =	simm.s32 $0x9A00  }
0x4a: {  	[tilespmem:s22], [sflag:$0x3] =	stream.indirect_vreg.gather [hbm4b:s6+s3], $0x80, v4, vm0, $0xb8;
	[tilespmem:$0x18200] =	vst v63  }
0x4b: {  	s23 =	simm.s32 $0xA200  }
0x4c: {  	[tilespmem:s23], [sflag:$0x3] =	stream.indirect_vreg.gather [hbm4b:s1+s3], $0x80, v3, vm0, $0xb8;
	[tilespmem:$0x18200] =	vst v63  }
0x4d: {  	s24 =	simm.s32 $0xAA00  }
0x4e: {  	[tilespmem:s24], [sflag:$0x3] =	stream.indirect_vreg.gather [hbm4b:s4+s3], $0x80, v3, vm0, $0xb8;
	[tilespmem:$0x18200] =	vst v63  }
0x4f: {  	s28 =	simm.s32 $0xB200  }
0x50: {  	[tilespmem:s28], [sflag:$0x3] =	stream.indirect_vreg.gather [hbm4b:s5+s3], $0x80, v3, vm0, $0xb8;
	[tilespmem:$0x18200] =	vst v63  }
0x51: {  	s29 =	simm.s32 $0xBA00  }
0x52: {  	[tilespmem:s29], [sflag:$0x3] =	stream.indirect_vreg.gather [hbm4b:s6+s3], $0x80, v3, vm0, $0xb8;
	[tilespmem:$0x18200] =	vst v63  }
0x53: {  	v3 =	vld [tilespmem:$0x30];
	_ =	sdelay $0x4  }
0x54: {  	v35 =	vshll.u32 v3, $0x3  }
0x55: {  	v3 =	vand.u32 $0x7, v3;
	v4 =	vand.u32 $0xFFFFFFC0, v35  }
0x56: {  	v3 =	vor.u32 v3, v4  }
0x57: {  	v4 =	vperm.xlane v3, v0;
	_ =	sdelay $0x1  }
0x58: {  	v4 =	vadd.s32 v1, v4;
	_ =	sdelay $0x3  }
0x59: {  	s20 =	simm.s32 $0xC200  }
0x5a: {  	[tilespmem:s20], [sflag:$0x4] =	stream.indirect_vreg.gather [hbm4b:s1+s3], $0x80, v4, vm0, $0xb8;
	[tilespmem:$0x18200] =	vst v63  }
0x5b: {  	s21 =	simm.s32 $0xCA00;
	v3 =	vperm.xlane v3, v2  }
0x5c: {  	[tilespmem:s21], [sflag:$0x4] =	stream.indirect_vreg.gather [hbm4b:s4+s3], $0x80, v4, vm0, $0xb8;
	[tilespmem:$0x18200] =	vst v63  }
0x5d: {  	s22 =	simm.s32 $0xD200;
	v3 =	vadd.s32 v1, v3  }
0x5e: {  	[tilespmem:s22], [sflag:$0x4] =	stream.indirect_vreg.gather [hbm4b:s5+s3], $0x80, v4, vm0, $0xb8;
	[tilespmem:$0x18200] =	vst v63  }
0x5f: {  	s23 =	simm.s32 $0xDA00  }
0x60: {  	[tilespmem:s23], [sflag:$0x4] =	stream.indirect_vreg.gather [hbm4b:s6+s3], $0x80, v4, vm0, $0xb8;
	[tilespmem:$0x18200] =	vst v63  }
0x61: {  	s24 =	simm.s32 $0xE200  }
0x62: {  	[tilespmem:s24], [sflag:$0x4] =	stream.indirect_vreg.gather [hbm4b:s1+s3], $0x80, v3, vm0, $0xb8;
	[tilespmem:$0x18200] =	vst v63  }
0x63: {  	s28 =	simm.s32 $0xEA00  }
0x64: {  	[tilespmem:s28], [sflag:$0x4] =	stream.indirect_vreg.gather [hbm4b:s4+s3], $0x80, v3, vm0, $0xb8;
	[tilespmem:$0x18200] =	vst v63  }
0x65: {  	s20 =	simm.s32 $0xF200  }
0x66: {  	[tilespmem:s20], [sflag:$0x4] =	stream.indirect_vreg.gather [hbm4b:s5+s3], $0x80, v3, vm0, $0xb8;
	[tilespmem:$0x18200] =	vst v63  }
0x67: {  	s21 =	simm.s32 $0xFA00  }
0x68: {  	[tilespmem:s21], [sflag:$0x4] =	stream.indirect_vreg.gather [hbm4b:s6+s3], $0x80, v3, vm0, $0xb8;
	[tilespmem:$0x18200] =	vst v63  }
0x69: {  	v3 =	vld [tilespmem:$0x40];
	_ =	sdelay $0x4  }
0x6a: {  	v36 =	vshll.u32 v3, $0x3  }
0x6b: {  	v3 =	vand.u32 $0x7, v3;
	v4 =	vand.u32 $0xFFFFFFC0, v36  }
0x6c: {  	v3 =	vor.u32 v3, v4  }
0x6d: {  	v4 =	vperm.xlane v3, v0;
	_ =	sdelay $0x1  }
0x6e: {  	v4 =	vadd.s32 v1, v4;
	_ =	sdelay $0x3  }
0x6f: {  	s20 =	simm.s32 $0x10200  }
0x70: {  	[tilespmem:s20], [sflag:$0x5] =	stream.indirect_vreg.gather [hbm4b:s1+s3], $0x80, v4, vm0, $0xb8;
	[tilespmem:$0x18200] =	vst v63  }
0x71: {  	s21 =	simm.s32 $0x10A00;
	v3 =	vperm.xlane v3, v2  }
0x72: {  	[tilespmem:s21], [sflag:$0x5] =	stream.indirect_vreg.gather [hbm4b:s4+s3], $0x80, v4, vm0, $0xb8;
	[tilespmem:$0x18200] =	vst v63  }
0x73: {  	s9 =	simm.s32 $0x11200;
	v3 =	vadd.s32 v1, v3  }
0x74: {  	[tilespmem:s9], [sflag:$0x5] =	stream.indirect_vreg.gather [hbm4b:s5+s3], $0x80, v4, vm0, $0xb8;
	[tilespmem:$0x18200] =	vst v63  }
0x75: {  	s9 =	simm.s32 $0x11A00  }
0x76: {  	[tilespmem:s9], [sflag:$0x5] =	stream.indirect_vreg.gather [hbm4b:s6+s3], $0x80, v4, vm0, $0xb8;
	[tilespmem:$0x18200] =	vst v63  }
0x77: {  	s9 =	simm.s32 $0x12200  }
0x78: {  	[tilespmem:s9], [sflag:$0x5] =	stream.indirect_vreg.gather [hbm4b:s1+s3], $0x80, v3, vm0, $0xb8;
	[tilespmem:$0x18200] =	vst v63  }
0x79: {  	s9 =	simm.s32 $0x12A00  }
0x7a: {  	[tilespmem:s9], [sflag:$0x5] =	stream.indirect_vreg.gather [hbm4b:s4+s3], $0x80, v3, vm0, $0xb8;
	[tilespmem:$0x18200] =	vst v63  }
0x7b: {  	s9 =	simm.s32 $0x13200  }
0x7c: {  	[tilespmem:s9], [sflag:$0x5] =	stream.indirect_vreg.gather [hbm4b:s5+s3], $0x80, v3, vm0, $0xb8;
	[tilespmem:$0x18200] =	vst v63  }
0x7d: {  	s9 =	simm.s32 $0x13A00  }
0x7e: {  	[tilespmem:s9], [sflag:$0x5] =	stream.indirect_vreg.gather [hbm4b:s6+s3], $0x80, v3, vm0, $0xb8;
	[tilespmem:$0x18200] =	vst v63  }
0x7f: {  	v3 =	vld [tilespmem:$0x50];
	_ =	sdelay $0x4  }
0x80: {  	v37 =	vshll.u32 v3, $0x3  }
0x81: {  	v3 =	vand.u32 $0x7, v3;
	v4 =	vand.u32 $0xFFFFFFC0, v37  }
0x82: {  	v3 =	vor.u32 v3, v4  }
0x83: {  	v4 =	vperm.xlane v3, v0;
	_ =	sdelay $0x1  }
0x84: {  	v4 =	vadd.s32 v1, v4;
	_ =	sdelay $0x3  }
0x85: {  	s9 =	simm.s32 $0x14200  }
0x86: {  	[tilespmem:s9], [sflag:$0x6] =	stream.indirect_vreg.gather [hbm4b:s1+s3], $0x80, v4, vm0, $0xb8;
	[tilespmem:$0x18200] =	vst v63  }
0x87: {  	v3 =	vperm.xlane v3, v2;
	s9 =	simm.s32 $0x14A00  }
0x88: {  	[tilespmem:s9], [sflag:$0x6] =	stream.indirect_vreg.gather [hbm4b:s4+s3], $0x80, v4, vm0, $0xb8;
	[tilespmem:$0x18200] =	vst v63  }
0x89: {  	v3 =	vadd.s32 v1, v3;
	s9 =	simm.s32 $0x15200  }
0x8a: {  	[tilespmem:s9], [sflag:$0x6] =	stream.indirect_vreg.gather [hbm4b:s5+s3], $0x80, v4, vm0, $0xb8;
	[tilespmem:$0x18200] =	vst v63  }
0x8b: {  	s9 =	simm.s32 $0x15A00  }
0x8c: {  	[tilespmem:s9], [sflag:$0x6] =	stream.indirect_vreg.gather [hbm4b:s6+s3], $0x80, v4, vm0, $0xb8;
	[tilespmem:$0x18200] =	vst v63  }
0x8d: {  	s9 =	simm.s32 $0x16200  }
0x8e: {  	[tilespmem:s9], [sflag:$0x6] =	stream.indirect_vreg.gather [hbm4b:s1+s3], $0x80, v3, vm0, $0xb8;
	[tilespmem:$0x18200] =	vst v63  }
0x8f: {  	s9 =	simm.s32 $0x16A00  }
0x90: {  	[tilespmem:s9], [sflag:$0x6] =	stream.indirect_vreg.gather [hbm4b:s4+s3], $0x80, v3, vm0, $0xb8;
	[tilespmem:$0x18200] =	vst v63  }
0x91: {  	s9 =	simm.s32 $0x17200  }
0x92: {  	[tilespmem:s9], [sflag:$0x6] =	stream.indirect_vreg.gather [hbm4b:s5+s3], $0x80, v3, vm0, $0xb8;
	[tilespmem:$0x18200] =	vst v63  }
0x93: {  	s9 =	simm.s32 $0x17A00  }
0x94: {  	[tilespmem:s9], [sflag:$0x6] =	stream.indirect_vreg.gather [hbm4b:s6+s3], $0x80, v3, vm0, $0xb8;
	[tilespmem:$0x18200] =	vst v63  }
0x95: {  	_ =	swait.ge [sflag:s31], $0x4000  }
0x96: {  	[sflag:s31] =	ssyncset.done $0x0  }
0x97: {  	[sflag:s31] =	ssyncadd.s32 $0xFFFFC000  }
0x98: {  	v3 =	vld [tilespmem:$0x60];
	_ =	sdelay $0x4  }
0x99: {  	v38 =	vshll.u32 v3, $0x3  }
0x9a: {  	v3 =	vand.u32 $0x7, v3;
	v4 =	vand.u32 $0xFFFFFFC0, v38  }
0x9b: {  	v3 =	vor.u32 v3, v4  }
0x9c: {  	v4 =	vperm.xlane v3, v0;
	_ =	sdelay $0x1  }
0x9d: {  	v4 =	vadd.s32 v1, v4;
	_ =	sdelay $0x3  }
0x9e: {  	s10 =	simm.s32 $0x200  }
0x9f: {  	[tilespmem:s10], [sflag:$0x1] =	stream.indirect_vreg.gather [hbm4b:s1+s3], $0x80, v4, vm0, $0xb8;
	[tilespmem:$0x18200] =	vst v63  }
0xa0: {  	s11 =	simm.s32 $0xA00;
	v3 =	vperm.xlane v3, v2  }
0xa1: {  	[tilespmem:s11], [sflag:$0x1] =	stream.indirect_vreg.gather [hbm4b:s4+s3], $0x80, v4, vm0, $0xb8;
	[tilespmem:$0x18200] =	vst v63  }
0xa2: {  	s16 =	simm.s32 $0x1200;
	v3 =	vadd.s32 v1, v3  }
0xa3: {  	[tilespmem:s16], [sflag:$0x1] =	stream.indirect_vreg.gather [hbm4b:s5+s3], $0x80, v4, vm0, $0xb8;
	[tilespmem:$0x18200] =	vst v63  }
0xa4: {  	s12 =	simm.s32 $0x1A00  }
0xa5: {  	[tilespmem:s12], [sflag:$0x1] =	stream.indirect_vreg.gather [hbm4b:s6+s3], $0x80, v4, vm0, $0xb8;
	[tilespmem:$0x18200] =	vst v63  }
0xa6: {  	s15 =	simm.s32 $0x2200  }
0xa7: {  	[tilespmem:s15], [sflag:$0x1] =	stream.indirect_vreg.gather [hbm4b:s1+s3], $0x80, v3, vm0, $0xb8;
	[tilespmem:$0x18200] =	vst v63  }
0xa8: {  	s13 =	simm.s32 $0x2A00  }
0xa9: {  	[tilespmem:s13], [sflag:$0x1] =	stream.indirect_vreg.gather [hbm4b:s4+s3], $0x80, v3, vm0, $0xb8;
	[tilespmem:$0x18200] =	vst v63  }
0xaa: {  	s14 =	simm.s32 $0x3200  }
0xab: {  	[tilespmem:s14], [sflag:$0x1] =	stream.indirect_vreg.gather [hbm4b:s5+s3], $0x80, v3, vm0, $0xb8;
	[tilespmem:$0x18200] =	vst v63  }
0xac: {  	s7 =	simm.s32 $0x3A00  }
0xad: {  	[tilespmem:s7], [sflag:$0x1] =	stream.indirect_vreg.gather [hbm4b:s6+s3], $0x80, v3, vm0, $0xb8;
	[tilespmem:$0x18200] =	vst v63  }
0xae: {  	_ =	swait.ge [sflag:s0], $0x4000  }
0xaf: {  	[sflag:s0] =	ssyncset.done $0x0  }
0xb0: {  	[sflag:s0] =	ssyncadd.s32 $0xFFFFC000  }
0xb1: {  	v3 =	vld [tilespmem:$0x70];
	_ =	sdelay $0x4  }
0xb2: {  	v39 =	vshll.u32 v3, $0x3  }
0xb3: {  	v3 =	vand.u32 $0x7, v3;
	v4 =	vand.u32 $0xFFFFFFC0, v39  }
0xb4: {  	v3 =	vor.u32 v3, v4  }
0xb5: {  	v4 =	vperm.xlane v3, v0;
	_ =	sdelay $0x1  }
0xb6: {  	v4 =	vadd.s32 v1, v4;
	_ =	sdelay $0x3  }
0xb7: {  	s19 =	simm.s32 $0x4200  }
0xb8: {  	[tilespmem:s19], [sflag:$0x2] =	stream.indirect_vreg.gather [hbm4b:s1+s3], $0x80, v4, vm0, $0xb8;
	[tilespmem:$0x18200] =	vst v63  }
0xb9: {  	s18 =	simm.s32 $0x4A00;
	v3 =	vperm.xlane v3, v2  }
0xba: {  	[tilespmem:s18], [sflag:$0x2] =	stream.indirect_vreg.gather [hbm4b:s4+s3], $0x80, v4, vm0, $0xb8;
	[tilespmem:$0x18200] =	vst v63  }
0xbb: {  	s12 =	simm.s32 $0x5200;
	v3 =	vadd.s32 v1, v3  }
0xbc: {  	[tilespmem:s12], [sflag:$0x2] =	stream.indirect_vreg.gather [hbm4b:s5+s3], $0x80, v4, vm0, $0xb8;
	[tilespmem:$0x18200] =	vst v63  }
0xbd: {  	s13 =	simm.s32 $0x5A00  }
0xbe: {  	[tilespmem:s13], [sflag:$0x2] =	stream.indirect_vreg.gather [hbm4b:s6+s3], $0x80, v4, vm0, $0xb8;
	[tilespmem:$0x18200] =	vst v63  }
0xbf: {  	s10 =	simm.s32 $0x6200  }
0xc0: {  	[tilespmem:s10], [sflag:$0x2] =	stream.indirect_vreg.gather [hbm4b:s1+s3], $0x80, v3, vm0, $0xb8;
	[tilespmem:$0x18200] =	vst v63  }
0xc1: {  	s11 =	simm.s32 $0x6A00  }
0xc2: {  	[tilespmem:s11], [sflag:$0x2] =	stream.indirect_vreg.gather [hbm4b:s4+s3], $0x80, v3, vm0, $0xb8;
	[tilespmem:$0x18200] =	vst v63  }
0xc3: {  	s12 =	simm.s32 $0x7200  }
0xc4: {  	[tilespmem:s12], [sflag:$0x2] =	stream.indirect_vreg.gather [hbm4b:s5+s3], $0x80, v3, vm0, $0xb8;
	[tilespmem:$0x18200] =	vst v63  }
0xc5: {  	s17 =	simm.s32 $0x7A00  }
0xc6: {  	[tilespmem:s17], [sflag:$0x2] =	stream.indirect_vreg.gather [hbm4b:s6+s3], $0x80, v3, vm0, $0xb8;
	[tilespmem:$0x18200] =	vst v63  }
0xc7: {  	_ =	swait.ge [sflag:s2], $0x4000  }
0xc8: {  	[sflag:s2] =	ssyncset.done $0x0  }
0xc9: {  	[sflag:s2] =	ssyncadd.s32 $0xFFFFC000  }
0xca: {  	v3 =	vld [tilespmem:$0x80];
	_ =	sdelay $0x4  }
0xcb: {  	v40 =	vshll.u32 v3, $0x3  }
0xcc: {  	v3 =	vand.u32 $0x7, v3;
	v4 =	vand.u32 $0xFFFFFFC0, v40  }
0xcd: {  	v3 =	vor.u32 v3, v4  }
0xce: {  	v4 =	vperm.xlane v3, v0;
	_ =	sdelay $0x1  }
0xcf: {  	v4 =	vadd.s32 v1, v4;
	_ =	sdelay $0x3  }
0xd0: {  	s14 =	simm.s32 $0x8200  }
0xd1: {  	[tilespmem:s14], [sflag:$0x3] =	stream.indirect_vreg.gather [hbm4b:s1+s3], $0x80, v4, vm0, $0xb8;
	[tilespmem:$0x18200] =	vst v63  }
0xd2: {  	s15 =	simm.s32 $0x8A00;
	v3 =	vperm.xlane v3, v2  }
0xd3: {  	[tilespmem:s15], [sflag:$0x3] =	stream.indirect_vreg.gather [hbm4b:s4+s3], $0x80, v4, vm0, $0xb8;
	[tilespmem:$0x18200] =	vst v63  }
0xd4: {  	s30 =	simm.s32 $0x9200;
	v3 =	vadd.s32 v1, v3  }
0xd5: {  	[tilespmem:s30], [sflag:$0x3] =	stream.indirect_vreg.gather [hbm4b:s5+s3], $0x80, v4, vm0, $0xb8;
	[tilespmem:$0x18200] =	vst v63  }
0xd6: {  	s7 =	simm.s32 $0x9A00  }
0xd7: {  	[tilespmem:s7], [sflag:$0x3] =	stream.indirect_vreg.gather [hbm4b:s6+s3], $0x80, v4, vm0, $0xb8;
	[tilespmem:$0x18200] =	vst v63  }
0xd8: {  	s16 =	simm.s32 $0xA200  }
0xd9: {  	[tilespmem:s16], [sflag:$0x3] =	stream.indirect_vreg.gather [hbm4b:s1+s3], $0x80, v3, vm0, $0xb8;
	[tilespmem:$0x18200] =	vst v63  }
0xda: {  	s17 =	simm.s32 $0xAA00  }
0xdb: {  	[tilespmem:s17], [sflag:$0x3] =	stream.indirect_vreg.gather [hbm4b:s4+s3], $0x80, v3, vm0, $0xb8;
	[tilespmem:$0x18200] =	vst v63  }
0xdc: {  	s18 =	simm.s32 $0xB200  }
0xdd: {  	[tilespmem:s18], [sflag:$0x3] =	stream.indirect_vreg.gather [hbm4b:s5+s3], $0x80, v3, vm0, $0xb8;
	[tilespmem:$0x18200] =	vst v63  }
0xde: {  	s19 =	simm.s32 $0xBA00  }
0xdf: {  	[tilespmem:s19], [sflag:$0x3] =	stream.indirect_vreg.gather [hbm4b:s6+s3], $0x80, v3, vm0, $0xb8;
	[tilespmem:$0x18200] =	vst v63  }
0xe0: {  	_ =	swait.ge [sflag:s8], $0x4000  }
0xe1: {  	[sflag:s8] =	ssyncset.done $0x0  }
0xe2: {  	[sflag:s8] =	ssyncadd.s32 $0xFFFFC000  }
0xe3: {  	v3 =	vld [tilespmem:$0x90];
	_ =	sdelay $0x4  }
0xe4: {  	v41 =	vshll.u32 v3, $0x3  }
0xe5: {  	v3 =	vand.u32 $0x7, v3;
	v4 =	vand.u32 $0xFFFFFFC0, v41  }
0xe6: {  	v3 =	vor.u32 v3, v4  }
0xe7: {  	v4 =	vperm.xlane v3, v0;
	_ =	sdelay $0x1  }
0xe8: {  	v4 =	vadd.s32 v1, v4;
	_ =	sdelay $0x3  }
0xe9: {  	s29 =	simm.s32 $0xC200  }
0xea: {  	[tilespmem:s29], [sflag:$0x4] =	stream.indirect_vreg.gather [hbm4b:s1+s3], $0x80, v4, vm0, $0xb8;
	[tilespmem:$0x18200] =	vst v63  }
0xeb: {  	s30 =	simm.s32 $0xCA00;
	v3 =	vperm.xlane v3, v2  }
0xec: {  	[tilespmem:s30], [sflag:$0x4] =	stream.indirect_vreg.gather [hbm4b:s4+s3], $0x80, v4, vm0, $0xb8;
	[tilespmem:$0x18200] =	vst v63  }
0xed: {  	s22 =	simm.s32 $0xD200;
	v3 =	vadd.s32 v1, v3  }
0xee: {  	[tilespmem:s22], [sflag:$0x4] =	stream.indirect_vreg.gather [hbm4b:s5+s3], $0x80, v4, vm0, $0xb8;
	[tilespmem:$0x18200] =	vst v63  }
0xef: {  	s23 =	simm.s32 $0xDA00  }
0xf0: {  	[tilespmem:s23], [sflag:$0x4] =	stream.indirect_vreg.gather [hbm4b:s6+s3], $0x80, v4, vm0, $0xb8;
	[tilespmem:$0x18200] =	vst v63  }
0xf1: {  	s24 =	simm.s32 $0xE200  }
0xf2: {  	[tilespmem:s24], [sflag:$0x4] =	stream.indirect_vreg.gather [hbm4b:s1+s3], $0x80, v3, vm0, $0xb8;
	[tilespmem:$0x18200] =	vst v63  }
0xf3: {  	s28 =	simm.s32 $0xEA00  }
0xf4: {  	[tilespmem:s28], [sflag:$0x4] =	stream.indirect_vreg.gather [hbm4b:s4+s3], $0x80, v3, vm0, $0xb8;
	[tilespmem:$0x18200] =	vst v63  }
0xf5: {  	s29 =	simm.s32 $0xF200  }
0xf6: {  	[tilespmem:s29], [sflag:$0x4] =	stream.indirect_vreg.gather [hbm4b:s5+s3], $0x80, v3, vm0, $0xb8;
	[tilespmem:$0x18200] =	vst v63  }
0xf7: {  	s28 =	simm.s32 $0xFA00  }
0xf8: {  	[tilespmem:s28], [sflag:$0x4] =	stream.indirect_vreg.gather [hbm4b:s6+s3], $0x80, v3, vm0, $0xb8;
	[tilespmem:$0x18200] =	vst v63  }
0xf9: {  	_ =	swait.ge [sflag:s25], $0x4000  }
0xfa: {  	[sflag:s25] =	ssyncset.done $0x0  }
0xfb: {  	[sflag:s25] =	ssyncadd.s32 $0xFFFFC000  }
0xfc: {  	v3 =	vld [tilespmem:$0xA0];
	_ =	sdelay $0x4  }
0xfd: {  	v42 =	vshll.u32 v3, $0x3  }
0xfe: {  	v3 =	vand.u32 $0x7, v3;
	v4 =	vand.u32 $0xFFFFFFC0, v42  }
0xff: {  	v3 =	vor.u32 v3, v4  }
0x100: {  	v4 =	vperm.xlane v3, v0;
	_ =	sdelay $0x1  }
0x101: {  	v4 =	vadd.s32 v1, v4;
	_ =	sdelay $0x3  }
0x102: {  	s20 =	simm.s32 $0x10200  }
0x103: {  	[tilespmem:s20], [sflag:$0x5] =	stream.indirect_vreg.gather [hbm4b:s1+s3], $0x80, v4, vm0, $0xb8;
	[tilespmem:$0x18200] =	vst v63  }
0x104: {  	s21 =	simm.s32 $0x10A00;
	v3 =	vperm.xlane v3, v2  }
0x105: {  	[tilespmem:s21], [sflag:$0x5] =	stream.indirect_vreg.gather [hbm4b:s4+s3], $0x80, v4, vm0, $0xb8;
	[tilespmem:$0x18200] =	vst v63  }
0x106: {  	v3 =	vadd.s32 v1, v3;
	s20 =	simm.s32 $0x11200  }
0x107: {  	[tilespmem:s20], [sflag:$0x5] =	stream.indirect_vreg.gather [hbm4b:s5+s3], $0x80, v4, vm0, $0xb8;
	[tilespmem:$0x18200] =	vst v63  }
0x108: {  	s21 =	simm.s32 $0x11A00  }
0x109: {  	[tilespmem:s21], [sflag:$0x5] =	stream.indirect_vreg.gather [hbm4b:s6+s3], $0x80, v4, vm0, $0xb8;
	[tilespmem:$0x18200] =	vst v63  }
0x10a: {  	s22 =	simm.s32 $0x12200  }
0x10b: {  	[tilespmem:s22], [sflag:$0x5] =	stream.indirect_vreg.gather [hbm4b:s1+s3], $0x80, v3, vm0, $0xb8;
	[tilespmem:$0x18200] =	vst v63  }
0x10c: {  	s23 =	simm.s32 $0x12A00  }
0x10d: {  	[tilespmem:s23], [sflag:$0x5] =	stream.indirect_vreg.gather [hbm4b:s4+s3], $0x80, v3, vm0, $0xb8;
	[tilespmem:$0x18200] =	vst v63  }
0x10e: {  	s24 =	simm.s32 $0x13200  }
0x10f: {  	[tilespmem:s24], [sflag:$0x5] =	stream.indirect_vreg.gather [hbm4b:s5+s3], $0x80, v3, vm0, $0xb8;
	[tilespmem:$0x18200] =	vst v63  }
0x110: {  	s28 =	simm.s32 $0x13A00  }
0x111: {  	[tilespmem:s28], [sflag:$0x5] =	stream.indirect_vreg.gather [hbm4b:s6+s3], $0x80, v3, vm0, $0xb8;
	[tilespmem:$0x18200] =	vst v63  }
0x112: {  	_ =	swait.ge [sflag:s26], $0x4000  }
0x113: {  	[sflag:s26] =	ssyncset.done $0x0  }
0x114: {  	[sflag:s26] =	ssyncadd.s32 $0xFFFFC000  }
0x115: {  	v3 =	vld [tilespmem:$0xB0];
	_ =	sdelay $0x4  }
0x116: {  	v43 =	vshll.u32 v3, $0x3  }
0x117: {  	v3 =	vand.u32 $0x7, v3;
	v4 =	vand.u32 $0xFFFFFFC0, v43  }
0x118: {  	v3 =	vor.u32 v3, v4  }
0x119: {  	v4 =	vperm.xlane v3, v0;
	_ =	sdelay $0x1  }
0x11a: {  	v4 =	vadd.s32 v1, v4;
	_ =	sdelay $0x3  }
0x11b: {  	s13 =	simm.s32 $0x14200  }
0x11c: {  	[tilespmem:s13], [sflag:$0x6] =	stream.indirect_vreg.gather [hbm4b:s1+s3], $0x80, v4, vm0, $0xb8;
	[tilespmem:$0x18200] =	vst v63  }
0x11d: {  	s14 =	simm.s32 $0x14A00;
	v3 =	vperm.xlane v3, v2  }
0x11e: {  	[tilespmem:s14], [sflag:$0x6] =	stream.indirect_vreg.gather [hbm4b:s4+s3], $0x80, v4, vm0, $0xb8;
	[tilespmem:$0x18200] =	vst v63  }
0x11f: {  	s15 =	simm.s32 $0x15200;
	v3 =	vadd.s32 v1, v3  }
0x120: {  	[tilespmem:s15], [sflag:$0x6] =	stream.indirect_vreg.gather [hbm4b:s5+s3], $0x80, v4, vm0, $0xb8;
	[tilespmem:$0x18200] =	vst v63  }
0x121: {  	s16 =	simm.s32 $0x15A00  }
0x122: {  	[tilespmem:s16], [sflag:$0x6] =	stream.indirect_vreg.gather [hbm4b:s6+s3], $0x80, v4, vm0, $0xb8;
	[tilespmem:$0x18200] =	vst v63  }
0x123: {  	s17 =	simm.s32 $0x16200  }
0x124: {  	[tilespmem:s17], [sflag:$0x6] =	stream.indirect_vreg.gather [hbm4b:s1+s3], $0x80, v3, vm0, $0xb8;
	[tilespmem:$0x18200] =	vst v63  }
0x125: {  	s18 =	simm.s32 $0x16A00  }
0x126: {  	[tilespmem:s18], [sflag:$0x6] =	stream.indirect_vreg.gather [hbm4b:s4+s3], $0x80, v3, vm0, $0xb8;
	[tilespmem:$0x18200] =	vst v63  }
0x127: {  	s19 =	simm.s32 $0x17200  }
0x128: {  	[tilespmem:s19], [sflag:$0x6] =	stream.indirect_vreg.gather [hbm4b:s5+s3], $0x80, v3, vm0, $0xb8;
	[tilespmem:$0x18200] =	vst v63  }
0x129: {  	s9 =	simm.s32 $0x17A00  }
0x12a: {  	[tilespmem:s9], [sflag:$0x6] =	stream.indirect_vreg.gather [hbm4b:s6+s3], $0x80, v3, vm0, $0xb8;
	[tilespmem:$0x18200] =	vst v63  }
0x12b: {  	_ =	swait.ge [sflag:s31], $0x4000  }
0x12c: {  	[sflag:s31] =	ssyncset.done $0x0  }
0x12d: {  	[sflag:s31] =	ssyncadd.s32 $0xFFFFC000  }
0x12e: {  	v3 =	vld [tilespmem:$0xC0];
	_ =	sdelay $0x4  }
0x12f: {  	v44 =	vshll.u32 v3, $0x3  }
0x130: {  	v3 =	vand.u32 $0x7, v3;
	v4 =	vand.u32 $0xFFFFFFC0, v44  }
0x131: {  	v3 =	vor.u32 v3, v4  }
0x132: {  	v4 =	vperm.xlane v3, v0;
	_ =	sdelay $0x1  }
0x133: {  	v4 =	vadd.s32 v1, v4;
	_ =	sdelay $0x3  }
0x134: {  	s9 =	simm.s32 $0x200  }
0x135: {  	[tilespmem:s9], [sflag:$0x1] =	stream.indirect_vreg.gather [hbm4b:s1+s3], $0x80, v4, vm0, $0xb8;
	[tilespmem:$0x18200] =	vst v63  }
0x136: {  	v3 =	vperm.xlane v3, v2;
	s9 =	simm.s32 $0xA00  }
0x137: {  	[tilespmem:s9], [sflag:$0x1] =	stream.indirect_vreg.gather [hbm4b:s4+s3], $0x80, v4, vm0, $0xb8;
	[tilespmem:$0x18200] =	vst v63  }
0x138: {  	v3 =	vadd.s32 v1, v3;
	s9 =	simm.s32 $0x1200  }
0x139: {  	[tilespmem:s9], [sflag:$0x1] =	stream.indirect_vreg.gather [hbm4b:s5+s3], $0x80, v4, vm0, $0xb8;
	[tilespmem:$0x18200] =	vst v63  }
0x13a: {  	s9 =	simm.s32 $0x1A00  }
0x13b: {  	[tilespmem:s9], [sflag:$0x1] =	stream.indirect_vreg.gather [hbm4b:s6+s3], $0x80, v4, vm0, $0xb8;
	[tilespmem:$0x18200] =	vst v63  }
0x13c: {  	s9 =	simm.s32 $0x2200  }
0x13d: {  	[tilespmem:s9], [sflag:$0x1] =	stream.indirect_vreg.gather [hbm4b:s1+s3], $0x80, v3, vm0, $0xb8;
	[tilespmem:$0x18200] =	vst v63  }
0x13e: {  	s9 =	simm.s32 $0x2A00  }
0x13f: {  	[tilespmem:s9], [sflag:$0x1] =	stream.indirect_vreg.gather [hbm4b:s4+s3], $0x80, v3, vm0, $0xb8;
	[tilespmem:$0x18200] =	vst v63  }
0x140: {  	s9 =	simm.s32 $0x3200  }
0x141: {  	[tilespmem:s9], [sflag:$0x1] =	stream.indirect_vreg.gather [hbm4b:s5+s3], $0x80, v3, vm0, $0xb8;
	[tilespmem:$0x18200] =	vst v63  }
0x142: {  	s9 =	simm.s32 $0x3A00  }
0x143: {  	[tilespmem:s9], [sflag:$0x1] =	stream.indirect_vreg.gather [hbm4b:s6+s3], $0x80, v3, vm0, $0xb8;
	[tilespmem:$0x18200] =	vst v63  }
0x144: {  	_ =	swait.ge [sflag:s0], $0x4000  }
0x145: {  	[sflag:s0] =	ssyncset.done $0x0  }
0x146: {  	[sflag:s0] =	ssyncadd.s32 $0xFFFFC000  }
0x147: {  	v3 =	vld [tilespmem:$0xD0];
	_ =	sdelay $0x4  }
0x148: {  	v45 =	vshll.u32 v3, $0x3  }
0x149: {  	v3 =	vand.u32 $0x7, v3;
	v4 =	vand.u32 $0xFFFFFFC0, v45  }
0x14a: {  	v3 =	vor.u32 v3, v4  }
0x14b: {  	v4 =	vperm.xlane v3, v0;
	_ =	sdelay $0x1  }
0x14c: {  	v4 =	vadd.s32 v1, v4;
	_ =	sdelay $0x3  }
0x14d: {  	s9 =	simm.s32 $0x4200  }
0x14e: {  	[tilespmem:s9], [sflag:$0x2] =	stream.indirect_vreg.gather [hbm4b:s1+s3], $0x80, v4, vm0, $0xb8;
	[tilespmem:$0x18200] =	vst v63  }
0x14f: {  	v3 =	vperm.xlane v3, v2;
	s9 =	simm.s32 $0x4A00  }
0x150: {  	[tilespmem:s9], [sflag:$0x2] =	stream.indirect_vreg.gather [hbm4b:s4+s3], $0x80, v4, vm0, $0xb8;
	[tilespmem:$0x18200] =	vst v63  }
0x151: {  	v3 =	vadd.s32 v1, v3;
	s9 =	simm.s32 $0x5200  }
0x152: {  	[tilespmem:s9], [sflag:$0x2] =	stream.indirect_vreg.gather [hbm4b:s5+s3], $0x80, v4, vm0, $0xb8;
	[tilespmem:$0x18200] =	vst v63  }
0x153: {  	s9 =	simm.s32 $0x5A00  }
0x154: {  	[tilespmem:s9], [sflag:$0x2] =	stream.indirect_vreg.gather [hbm4b:s6+s3], $0x80, v4, vm0, $0xb8;
	[tilespmem:$0x18200] =	vst v63  }
0x155: {  	_ = 	snop  }
0x156: {  	[tilespmem:s10], [sflag:$0x2] =	stream.indirect_vreg.gather [hbm4b:s1+s3], $0x80, v3, vm0, $0xb8;
	[tilespmem:$0x18200] =	vst v63  }
0x157: {  	_ = 	snop  }
0x158: {  	[tilespmem:s11], [sflag:$0x2] =	stream.indirect_vreg.gather [hbm4b:s4+s3], $0x80, v3, vm0, $0xb8;
	[tilespmem:$0x18200] =	vst v63  }
0x159: {  	_ = 	snop  }
0x15a: {  	[tilespmem:s12], [sflag:$0x2] =	stream.indirect_vreg.gather [hbm4b:s5+s3], $0x80, v3, vm0, $0xb8;
	[tilespmem:$0x18200] =	vst v63  }
0x15b: {  	s9 =	simm.s32 $0x7A00  }
0x15c: {  	[tilespmem:s9], [sflag:$0x2] =	stream.indirect_vreg.gather [hbm4b:s6+s3], $0x80, v3, vm0, $0xb8;
	[tilespmem:$0x18200] =	vst v63  }
0x15d: {  	_ =	swait.ge [sflag:s2], $0x4000  }
0x15e: {  	[sflag:s2] =	ssyncset.done $0x0  }
0x15f: {  	[sflag:s2] =	ssyncadd.s32 $0xFFFFC000  }
0x160: {  	v3 =	vld [tilespmem:$0xE0];
	_ =	sdelay $0x4  }
0x161: {  	v46 =	vshll.u32 v3, $0x3  }
0x162: {  	v3 =	vand.u32 $0x7, v3;
	v4 =	vand.u32 $0xFFFFFFC0, v46  }
0x163: {  	v3 =	vor.u32 v3, v4  }
0x164: {  	v4 =	vperm.xlane v3, v0;
	_ =	sdelay $0x1  }
0x165: {  	v4 =	vadd.s32 v1, v4;
	_ =	sdelay $0x3  }
0x166: {  	s9 =	simm.s32 $0x8200  }
0x167: {  	[tilespmem:s9], [sflag:$0x3] =	stream.indirect_vreg.gather [hbm4b:s1+s3], $0x80, v4, vm0, $0xb8;
	[tilespmem:$0x18200] =	vst v63  }
0x168: {  	v3 =	vperm.xlane v3, v2;
	s9 =	simm.s32 $0x8A00  }
0x169: {  	[tilespmem:s9], [sflag:$0x3] =	stream.indirect_vreg.gather [hbm4b:s4+s3], $0x80, v4, vm0, $0xb8;
	[tilespmem:$0x18200] =	vst v63  }
0x16a: {  	v3 =	vadd.s32 v1, v3;
	s9 =	simm.s32 $0x9200  }
0x16b: {  	[tilespmem:s9], [sflag:$0x3] =	stream.indirect_vreg.gather [hbm4b:s5+s3], $0x80, v4, vm0, $0xb8;
	[tilespmem:$0x18200] =	vst v63  }
0x16c: {  	_ = 	snop  }
0x16d: {  	[tilespmem:s7], [sflag:$0x3] =	stream.indirect_vreg.gather [hbm4b:s6+s3], $0x80, v4, vm0, $0xb8;
	[tilespmem:$0x18200] =	vst v63  }
0x16e: {  	s9 =	simm.s32 $0xA200  }
0x16f: {  	[tilespmem:s9], [sflag:$0x3] =	stream.indirect_vreg.gather [hbm4b:s1+s3], $0x80, v3, vm0, $0xb8;
	[tilespmem:$0x18200] =	vst v63  }
0x170: {  	s9 =	simm.s32 $0xAA00  }
0x171: {  	[tilespmem:s9], [sflag:$0x3] =	stream.indirect_vreg.gather [hbm4b:s4+s3], $0x80, v3, vm0, $0xb8;
	[tilespmem:$0x18200] =	vst v63  }
0x172: {  	s9 =	simm.s32 $0xB200  }
0x173: {  	[tilespmem:s9], [sflag:$0x3] =	stream.indirect_vreg.gather [hbm4b:s5+s3], $0x80, v3, vm0, $0xb8;
	[tilespmem:$0x18200] =	vst v63  }
0x174: {  	s9 =	simm.s32 $0xBA00  }
0x175: {  	[tilespmem:s9], [sflag:$0x3] =	stream.indirect_vreg.gather [hbm4b:s6+s3], $0x80, v3, vm0, $0xb8;
	[tilespmem:$0x18200] =	vst v63  }
0x176: {  	_ =	swait.ge [sflag:s8], $0x4000  }
0x177: {  	[sflag:s8] =	ssyncset.done $0x0  }
0x178: {  	[sflag:s8] =	ssyncadd.s32 $0xFFFFC000  }
0x179: {  	v3 =	vld [tilespmem:$0xF0];
	_ =	sdelay $0x4  }
0x17a: {  	v47 =	vshll.u32 v3, $0x3  }
0x17b: {  	v3 =	vand.u32 $0x7, v3;
	v4 =	vand.u32 $0xFFFFFFC0, v47  }
0x17c: {  	v3 =	vor.u32 v3, v4  }
0x17d: {  	v4 =	vperm.xlane v3, v0;
	_ =	sdelay $0x1  }
0x17e: {  	v4 =	vadd.s32 v1, v4;
	_ =	sdelay $0x3  }
0x17f: {  	s9 =	simm.s32 $0xC200  }
0x180: {  	[tilespmem:s9], [sflag:$0x4] =	stream.indirect_vreg.gather [hbm4b:s1+s3], $0x80, v4, vm0, $0xb8;
	[tilespmem:$0x18200] =	vst v63  }
0x181: {  	v3 =	vperm.xlane v3, v2  }
0x182: {  	[tilespmem:s30], [sflag:$0x4] =	stream.indirect_vreg.gather [hbm4b:s4+s3], $0x80, v4, vm0, $0xb8;
	[tilespmem:$0x18200] =	vst v63  }
0x183: {  	v3 =	vadd.s32 v1, v3;
	s9 =	simm.s32 $0xD200  }
0x184: {  	[tilespmem:s9], [sflag:$0x4] =	stream.indirect_vreg.gather [hbm4b:s5+s3], $0x80, v4, vm0, $0xb8;
	[tilespmem:$0x18200] =	vst v63  }
0x185: {  	s9 =	simm.s32 $0xDA00  }
0x186: {  	[tilespmem:s9], [sflag:$0x4] =	stream.indirect_vreg.gather [hbm4b:s6+s3], $0x80, v4, vm0, $0xb8;
	[tilespmem:$0x18200] =	vst v63  }
0x187: {  	s9 =	simm.s32 $0xE200  }
0x188: {  	[tilespmem:s9], [sflag:$0x4] =	stream.indirect_vreg.gather [hbm4b:s1+s3], $0x80, v3, vm0, $0xb8;
	[tilespmem:$0x18200] =	vst v63  }
0x189: {  	s9 =	simm.s32 $0xEA00  }
0x18a: {  	[tilespmem:s9], [sflag:$0x4] =	stream.indirect_vreg.gather [hbm4b:s4+s3], $0x80, v3, vm0, $0xb8;
	[tilespmem:$0x18200] =	vst v63  }
0x18b: {  	_ = 	snop  }
0x18c: {  	[tilespmem:s29], [sflag:$0x4] =	stream.indirect_vreg.gather [hbm4b:s5+s3], $0x80, v3, vm0, $0xb8;
	[tilespmem:$0x18200] =	vst v63  }
0x18d: {  	s29 =	simm.s32 $0xFA00  }
0x18e: {  	[tilespmem:s29], [sflag:$0x4] =	stream.indirect_vreg.gather [hbm4b:s6+s3], $0x80, v3, vm0, $0xb8;
	[tilespmem:$0x18200] =	vst v63  }
0x18f: {  	_ =	swait.ge [sflag:s25], $0x4000  }
0x190: {  	[sflag:s25] =	ssyncset.done $0x0  }
0x191: {  	[sflag:s25] =	ssyncadd.s32 $0xFFFFC000  }
0x192: {  	v3 =	vld [tilespmem:$0x100];
	_ =	sdelay $0x4  }
0x193: {  	v48 =	vshll.u32 v3, $0x3  }
0x194: {  	v3 =	vand.u32 $0x7, v3;
	v4 =	vand.u32 $0xFFFFFFC0, v48  }
0x195: {  	v3 =	vor.u32 v3, v4  }
0x196: {  	v4 =	vperm.xlane v3, v0;
	_ =	sdelay $0x1  }
0x197: {  	v4 =	vadd.s32 v1, v4;
	_ =	sdelay $0x3  }
0x198: {  	s29 =	simm.s32 $0x10200  }
0x199: {  	[tilespmem:s29], [sflag:$0x5] =	stream.indirect_vreg.gather [hbm4b:s1+s3], $0x80, v4, vm0, $0xb8;
	[tilespmem:$0x18200] =	vst v63  }
0x19a: {  	v3 =	vperm.xlane v3, v2;
	s29 =	simm.s32 $0x10A00  }
0x19b: {  	[tilespmem:s29], [sflag:$0x5] =	stream.indirect_vreg.gather [hbm4b:s4+s3], $0x80, v4, vm0, $0xb8;
	[tilespmem:$0x18200] =	vst v63  }
0x19c: {  	v3 =	vadd.s32 v1, v3  }
0x19d: {  	[tilespmem:s20], [sflag:$0x5] =	stream.indirect_vreg.gather [hbm4b:s5+s3], $0x80, v4, vm0, $0xb8;
	[tilespmem:$0x18200] =	vst v63  }
0x19e: {  	_ = 	snop  }
0x19f: {  	[tilespmem:s21], [sflag:$0x5] =	stream.indirect_vreg.gather [hbm4b:s6+s3], $0x80, v4, vm0, $0xb8;
	[tilespmem:$0x18200] =	vst v63  }
0x1a0: {  	_ = 	snop  }
0x1a1: {  	[tilespmem:s22], [sflag:$0x5] =	stream.indirect_vreg.gather [hbm4b:s1+s3], $0x80, v3, vm0, $0xb8;
	[tilespmem:$0x18200] =	vst v63  }
0x1a2: {  	_ = 	snop  }
0x1a3: {  	[tilespmem:s23], [sflag:$0x5] =	stream.indirect_vreg.gather [hbm4b:s4+s3], $0x80, v3, vm0, $0xb8;
	[tilespmem:$0x18200] =	vst v63  }
0x1a4: {  	_ = 	snop  }
0x1a5: {  	[tilespmem:s24], [sflag:$0x5] =	stream.indirect_vreg.gather [hbm4b:s5+s3], $0x80, v3, vm0, $0xb8;
	[tilespmem:$0x18200] =	vst v63  }
0x1a6: {  	_ = 	snop  }
0x1a7: {  	[tilespmem:s28], [sflag:$0x5] =	stream.indirect_vreg.gather [hbm4b:s6+s3], $0x80, v3, vm0, $0xb8;
	[tilespmem:$0x18200] =	vst v63  }
0x1a8: {  	_ =	swait.ge [sflag:s26], $0x4000  }
0x1a9: {  	[sflag:s26] =	ssyncset.done $0x0  }
0x1aa: {  	[sflag:s26] =	ssyncadd.s32 $0xFFFFC000  }
0x1ab: {  	v3 =	vld [tilespmem:$0x110];
	_ =	sdelay $0x4  }
0x1ac: {  	v49 =	vshll.u32 v3, $0x3  }
0x1ad: {  	v3 =	vand.u32 $0x7, v3;
	v4 =	vand.u32 $0xFFFFFFC0, v49  }
0x1ae: {  	v3 =	vor.u32 v3, v4  }
0x1af: {  	v4 =	vperm.xlane v3, v0;
	_ =	sdelay $0x1  }
0x1b0: {  	v4 =	vadd.s32 v1, v4;
	_ =	sdelay $0x4  }
0x1b1: {  	[tilespmem:s13], [sflag:$0x6] =	stream.indirect_vreg.gather [hbm4b:s1+s3], $0x80, v4, vm0, $0xb8;
	[tilespmem:$0x18200] =	vst v63  }
0x1b2: {  	v3 =	vperm.xlane v3, v2  }
0x1b3: {  	[tilespmem:s14], [sflag:$0x6] =	stream.indirect_vreg.gather [hbm4b:s4+s3], $0x80, v4, vm0, $0xb8;
	[tilespmem:$0x18200] =	vst v63  }
0x1b4: {  	v3 =	vadd.s32 v1, v3  }
0x1b5: {  	[tilespmem:s15], [sflag:$0x6] =	stream.indirect_vreg.gather [hbm4b:s5+s3], $0x80, v4, vm0, $0xb8;
	[tilespmem:$0x18200] =	vst v63  }
0x1b6: {  	_ = 	snop  }
0x1b7: {  	[tilespmem:s16], [sflag:$0x6] =	stream.indirect_vreg.gather [hbm4b:s6+s3], $0x80, v4, vm0, $0xb8;
	[tilespmem:$0x18200] =	vst v63  }
0x1b8: {  	_ = 	snop  }
0x1b9: {  	[tilespmem:s17], [sflag:$0x6] =	stream.indirect_vreg.gather [hbm4b:s1+s3], $0x80, v3, vm0, $0xb8;
	[tilespmem:$0x18200] =	vst v63  }
0x1ba: {  	_ = 	snop  }
0x1bb: {  	[tilespmem:s18], [sflag:$0x6] =	stream.indirect_vreg.gather [hbm4b:s4+s3], $0x80, v3, vm0, $0xb8;
	[tilespmem:$0x18200] =	vst v63  }
0x1bc: {  	_ = 	snop  }
0x1bd: {  	[tilespmem:s19], [sflag:$0x6] =	stream.indirect_vreg.gather [hbm4b:s5+s3], $0x80, v3, vm0, $0xb8;
	[tilespmem:$0x18200] =	vst v63  }
0x1be: {  	s29 =	simm.s32 $0x17A00  }
0x1bf: {  	[tilespmem:s29], [sflag:$0x6] =	stream.indirect_vreg.gather [hbm4b:s6+s3], $0x80, v3, vm0, $0xb8;
	[tilespmem:$0x18200] =	vst v63  }
0x1c0: {  	_ =	swait.ge [sflag:s31], $0x4000  }
0x1c1: {  	[sflag:s31] =	ssyncset.done $0x0  }
0x1c2: {  	[sflag:s31] =	ssyncadd.s32 $0xFFFFC000  }
0x1c3: {  	v3 =	vld [tilespmem:$0x120];
	_ =	sdelay $0x4  }
0x1c4: {  	v50 =	vshll.u32 v3, $0x3  }
0x1c5: {  	v3 =	vand.u32 $0x7, v3;
	v4 =	vand.u32 $0xFFFFFFC0, v50  }
0x1c6: {  	v3 =	vor.u32 v3, v4  }
0x1c7: {  	v4 =	vperm.xlane v3, v0;
	_ =	sdelay $0x1  }
0x1c8: {  	v4 =	vadd.s32 v1, v4;
	_ =	sdelay $0x3  }
0x1c9: {  	s29 =	simm.s32 $0x200  }
0x1ca: {  	[tilespmem:s29], [sflag:$0x1] =	stream.indirect_vreg.gather [hbm4b:s1+s3], $0x80, v4, vm0, $0xb8;
	[tilespmem:$0x18200] =	vst v63  }
0x1cb: {  	v3 =	vperm.xlane v3, v2;
	s29 =	simm.s32 $0xA00  }
0x1cc: {  	[tilespmem:s29], [sflag:$0x1] =	stream.indirect_vreg.gather [hbm4b:s4+s3], $0x80, v4, vm0, $0xb8;
	[tilespmem:$0x18200] =	vst v63  }
0x1cd: {  	v3 =	vadd.s32 v1, v3;
	s29 =	simm.s32 $0x1200  }
0x1ce: {  	[tilespmem:s29], [sflag:$0x1] =	stream.indirect_vreg.gather [hbm4b:s5+s3], $0x80, v4, vm0, $0xb8;
	[tilespmem:$0x18200] =	vst v63  }
0x1cf: {  	s29 =	simm.s32 $0x1A00  }
0x1d0: {  	[tilespmem:s29], [sflag:$0x1] =	stream.indirect_vreg.gather [hbm4b:s6+s3], $0x80, v4, vm0, $0xb8;
	[tilespmem:$0x18200] =	vst v63  }
0x1d1: {  	s29 =	simm.s32 $0x2200  }
0x1d2: {  	[tilespmem:s29], [sflag:$0x1] =	stream.indirect_vreg.gather [hbm4b:s1+s3], $0x80, v3, vm0, $0xb8;
	[tilespmem:$0x18200] =	vst v63  }
0x1d3: {  	s29 =	simm.s32 $0x2A00  }
0x1d4: {  	[tilespmem:s29], [sflag:$0x1] =	stream.indirect_vreg.gather [hbm4b:s4+s3], $0x80, v3, vm0, $0xb8;
	[tilespmem:$0x18200] =	vst v63  }
0x1d5: {  	s29 =	simm.s32 $0x3200  }
0x1d6: {  	[tilespmem:s29], [sflag:$0x1] =	stream.indirect_vreg.gather [hbm4b:s5+s3], $0x80, v3, vm0, $0xb8;
	[tilespmem:$0x18200] =	vst v63  }
0x1d7: {  	s29 =	simm.s32 $0x3A00  }
0x1d8: {  	[tilespmem:s29], [sflag:$0x1] =	stream.indirect_vreg.gather [hbm4b:s6+s3], $0x80, v3, vm0, $0xb8;
	[tilespmem:$0x18200] =	vst v63  }
0x1d9: {  	_ =	swait.ge [sflag:s0], $0x4000  }
0x1da: {  	[sflag:s0] =	ssyncset.done $0x0  }
0x1db: {  	[sflag:s0] =	ssyncadd.s32 $0xFFFFC000  }
0x1dc: {  	v3 =	vld [tilespmem:$0x130];
	_ =	sdelay $0x4  }
0x1dd: {  	v51 =	vshll.u32 v3, $0x3  }
0x1de: {  	v3 =	vand.u32 $0x7, v3;
	v4 =	vand.u32 $0xFFFFFFC0, v51  }
0x1df: {  	v3 =	vor.u32 v3, v4  }
0x1e0: {  	v4 =	vperm.xlane v3, v0;
	_ =	sdelay $0x1  }
0x1e1: {  	v4 =	vadd.s32 v1, v4;
	_ =	sdelay $0x3  }
0x1e2: {  	s29 =	simm.s32 $0x4200  }
0x1e3: {  	[tilespmem:s29], [sflag:$0x2] =	stream.indirect_vreg.gather [hbm4b:s1+s3], $0x80, v4, vm0, $0xb8;
	[tilespmem:$0x18200] =	vst v63  }
0x1e4: {  	v3 =	vperm.xlane v3, v2;
	s29 =	simm.s32 $0x4A00  }
0x1e5: {  	[tilespmem:s29], [sflag:$0x2] =	stream.indirect_vreg.gather [hbm4b:s4+s3], $0x80, v4, vm0, $0xb8;
	[tilespmem:$0x18200] =	vst v63  }
0x1e6: {  	v3 =	vadd.s32 v1, v3;
	s29 =	simm.s32 $0x5200  }
0x1e7: {  	[tilespmem:s29], [sflag:$0x2] =	stream.indirect_vreg.gather [hbm4b:s5+s3], $0x80, v4, vm0, $0xb8;
	[tilespmem:$0x18200] =	vst v63  }
0x1e8: {  	s29 =	simm.s32 $0x5A00  }
0x1e9: {  	[tilespmem:s29], [sflag:$0x2] =	stream.indirect_vreg.gather [hbm4b:s6+s3], $0x80, v4, vm0, $0xb8;
	[tilespmem:$0x18200] =	vst v63  }
0x1ea: {  	s10 =	simm.s32 $0x6200  }
0x1eb: {  	[tilespmem:s10], [sflag:$0x2] =	stream.indirect_vreg.gather [hbm4b:s1+s3], $0x80, v3, vm0, $0xb8;
	[tilespmem:$0x18200] =	vst v63  }
0x1ec: {  	s11 =	simm.s32 $0x6A00  }
0x1ed: {  	[tilespmem:s11], [sflag:$0x2] =	stream.indirect_vreg.gather [hbm4b:s4+s3], $0x80, v3, vm0, $0xb8;
	[tilespmem:$0x18200] =	vst v63  }
0x1ee: {  	s12 =	simm.s32 $0x7200  }
0x1ef: {  	[tilespmem:s12], [sflag:$0x2] =	stream.indirect_vreg.gather [hbm4b:s5+s3], $0x80, v3, vm0, $0xb8;
	[tilespmem:$0x18200] =	vst v63  }
0x1f0: {  	s11 =	simm.s32 $0x7A00  }
0x1f1: {  	[tilespmem:s11], [sflag:$0x2] =	stream.indirect_vreg.gather [hbm4b:s6+s3], $0x80, v3, vm0, $0xb8;
	[tilespmem:$0x18200] =	vst v63  }
0x1f2: {  	_ =	swait.ge [sflag:s2], $0x4000  }
0x1f3: {  	[sflag:s2] =	ssyncset.done $0x0  }
0x1f4: {  	[sflag:s2] =	ssyncadd.s32 $0xFFFFC000  }
0x1f5: {  	v3 =	vld [tilespmem:$0x140];
	_ =	sdelay $0x4  }
0x1f6: {  	v52 =	vshll.u32 v3, $0x3  }
0x1f7: {  	v3 =	vand.u32 $0x7, v3;
	v4 =	vand.u32 $0xFFFFFFC0, v52  }
0x1f8: {  	v3 =	vor.u32 v3, v4  }
0x1f9: {  	v4 =	vperm.xlane v3, v0;
	_ =	sdelay $0x1  }
0x1fa: {  	v4 =	vadd.s32 v1, v4;
	_ =	sdelay $0x3  }
0x1fb: {  	s12 =	simm.s32 $0x8200  }
0x1fc: {  	[tilespmem:s12], [sflag:$0x3] =	stream.indirect_vreg.gather [hbm4b:s1+s3], $0x80, v4, vm0, $0xb8;
	[tilespmem:$0x18200] =	vst v63  }
0x1fd: {  	s29 =	simm.s32 $0x8A00;
	v3 =	vperm.xlane v3, v2  }
0x1fe: {  	[tilespmem:s29], [sflag:$0x3] =	stream.indirect_vreg.gather [hbm4b:s4+s3], $0x80, v4, vm0, $0xb8;
	[tilespmem:$0x18200] =	vst v63  }
0x1ff: {  	s10 =	simm.s32 $0x9200;
	v3 =	vadd.s32 v1, v3  }
0x200: {  	[tilespmem:s10], [sflag:$0x3] =	stream.indirect_vreg.gather [hbm4b:s5+s3], $0x80, v4, vm0, $0xb8;
	[tilespmem:$0x18200] =	vst v63  }
0x201: {  	s11 =	simm.s32 $0x9A00  }
0x202: {  	[tilespmem:s11], [sflag:$0x3] =	stream.indirect_vreg.gather [hbm4b:s6+s3], $0x80, v4, vm0, $0xb8;
	[tilespmem:$0x18200] =	vst v63  }
0x203: {  	s12 =	simm.s32 $0xA200  }
0x204: {  	[tilespmem:s12], [sflag:$0x3] =	stream.indirect_vreg.gather [hbm4b:s1+s3], $0x80, v3, vm0, $0xb8;
	[tilespmem:$0x18200] =	vst v63  }
0x205: {  	s29 =	simm.s32 $0xAA00  }
0x206: {  	[tilespmem:s29], [sflag:$0x3] =	stream.indirect_vreg.gather [hbm4b:s4+s3], $0x80, v3, vm0, $0xb8;
	[tilespmem:$0x18200] =	vst v63  }
0x207: {  	s10 =	simm.s32 $0xB200  }
0x208: {  	[tilespmem:s10], [sflag:$0x3] =	stream.indirect_vreg.gather [hbm4b:s5+s3], $0x80, v3, vm0, $0xb8;
	[tilespmem:$0x18200] =	vst v63  }
0x209: {  	s10 =	simm.s32 $0xBA00  }
0x20a: {  	[tilespmem:s10], [sflag:$0x3] =	stream.indirect_vreg.gather [hbm4b:s6+s3], $0x80, v3, vm0, $0xb8;
	[tilespmem:$0x18200] =	vst v63  }
0x20b: {  	_ =	swait.ge [sflag:s8], $0x4000  }
0x20c: {  	[sflag:s8] =	ssyncset.done $0x0  }
0x20d: {  	[sflag:s8] =	ssyncadd.s32 $0xFFFFC000  }
0x20e: {  	v3 =	vld [tilespmem:$0x150];
	_ =	sdelay $0x4  }
0x20f: {  	v53 =	vshll.u32 v3, $0x3  }
0x210: {  	v3 =	vand.u32 $0x7, v3;
	v4 =	vand.u32 $0xFFFFFFC0, v53  }
0x211: {  	v3 =	vor.u32 v3, v4  }
0x212: {  	v4 =	vperm.xlane v3, v0;
	_ =	sdelay $0x1  }
0x213: {  	v4 =	vadd.s32 v1, v4;
	_ =	sdelay $0x3  }
0x214: {  	s10 =	simm.s32 $0xC200  }
0x215: {  	[tilespmem:s10], [sflag:$0x4] =	stream.indirect_vreg.gather [hbm4b:s1+s3], $0x80, v4, vm0, $0xb8;
	[tilespmem:$0x18200] =	vst v63  }
0x216: {  	s30 =	simm.s32 $0xCA00;
	v3 =	vperm.xlane v3, v2  }
0x217: {  	[tilespmem:s30], [sflag:$0x4] =	stream.indirect_vreg.gather [hbm4b:s4+s3], $0x80, v4, vm0, $0xb8;
	[tilespmem:$0x18200] =	vst v63  }
0x218: {  	v3 =	vadd.s32 v1, v3;
	s30 =	simm.s32 $0xD200  }
0x219: {  	[tilespmem:s30], [sflag:$0x4] =	stream.indirect_vreg.gather [hbm4b:s5+s3], $0x80, v4, vm0, $0xb8;
	[tilespmem:$0x18200] =	vst v63  }
0x21a: {  	s30 =	simm.s32 $0xDA00  }
0x21b: {  	[tilespmem:s30], [sflag:$0x4] =	stream.indirect_vreg.gather [hbm4b:s6+s3], $0x80, v4, vm0, $0xb8;
	[tilespmem:$0x18200] =	vst v63  }
0x21c: {  	s30 =	simm.s32 $0xE200  }
0x21d: {  	[tilespmem:s30], [sflag:$0x4] =	stream.indirect_vreg.gather [hbm4b:s1+s3], $0x80, v3, vm0, $0xb8;
	[tilespmem:$0x18200] =	vst v63  }
0x21e: {  	s30 =	simm.s32 $0xEA00  }
0x21f: {  	[tilespmem:s30], [sflag:$0x4] =	stream.indirect_vreg.gather [hbm4b:s4+s3], $0x80, v3, vm0, $0xb8;
	[tilespmem:$0x18200] =	vst v63  }
0x220: {  	s7 =	simm.s32 $0xF200  }
0x221: {  	[tilespmem:s7], [sflag:$0x4] =	stream.indirect_vreg.gather [hbm4b:s5+s3], $0x80, v3, vm0, $0xb8;
	[tilespmem:$0x18200] =	vst v63  }
0x222: {  	s7 =	simm.s32 $0xFA00  }
0x223: {  	[tilespmem:s7], [sflag:$0x4] =	stream.indirect_vreg.gather [hbm4b:s6+s3], $0x80, v3, vm0, $0xb8;
	[tilespmem:$0x18200] =	vst v63  }
0x224: {  	_ =	swait.ge [sflag:s25], $0x4000  }
0x225: {  	[sflag:s25] =	ssyncset.done $0x0  }
0x226: {  	[sflag:s25] =	ssyncadd.s32 $0xFFFFC000  }
0x227: {  	v3 =	vld [tilespmem:$0x160];
	_ =	sdelay $0x4  }
0x228: {  	v54 =	vshll.u32 v3, $0x3  }
0x229: {  	v3 =	vand.u32 $0x7, v3;
	v4 =	vand.u32 $0xFFFFFFC0, v54  }
0x22a: {  	v3 =	vor.u32 v3, v4  }
0x22b: {  	v4 =	vperm.xlane v3, v0;
	_ =	sdelay $0x1  }
0x22c: {  	v4 =	vadd.s32 v1, v4;
	_ =	sdelay $0x3  }
0x22d: {  	s30 =	simm.s32 $0x10200  }
0x22e: {  	[tilespmem:s30], [sflag:$0x5] =	stream.indirect_vreg.gather [hbm4b:s1+s3], $0x80, v4, vm0, $0xb8;
	[tilespmem:$0x18200] =	vst v63  }
0x22f: {  	s9 =	simm.s32 $0x10A00;
	v3 =	vperm.xlane v3, v2  }
0x230: {  	[tilespmem:s9], [sflag:$0x5] =	stream.indirect_vreg.gather [hbm4b:s4+s3], $0x80, v4, vm0, $0xb8;
	[tilespmem:$0x18200] =	vst v63  }
0x231: {  	s20 =	simm.s32 $0x11200;
	v3 =	vadd.s32 v1, v3  }
0x232: {  	[tilespmem:s20], [sflag:$0x5] =	stream.indirect_vreg.gather [hbm4b:s5+s3], $0x80, v4, vm0, $0xb8;
	[tilespmem:$0x18200] =	vst v63  }
0x233: {  	s21 =	simm.s32 $0x11A00  }
0x234: {  	[tilespmem:s21], [sflag:$0x5] =	stream.indirect_vreg.gather [hbm4b:s6+s3], $0x80, v4, vm0, $0xb8;
	[tilespmem:$0x18200] =	vst v63  }
0x235: {  	s22 =	simm.s32 $0x12200  }
0x236: {  	[tilespmem:s22], [sflag:$0x5] =	stream.indirect_vreg.gather [hbm4b:s1+s3], $0x80, v3, vm0, $0xb8;
	[tilespmem:$0x18200] =	vst v63  }
0x237: {  	s23 =	simm.s32 $0x12A00  }
0x238: {  	[tilespmem:s23], [sflag:$0x5] =	stream.indirect_vreg.gather [hbm4b:s4+s3], $0x80, v3, vm0, $0xb8;
	[tilespmem:$0x18200] =	vst v63  }
0x239: {  	s24 =	simm.s32 $0x13200  }
0x23a: {  	[tilespmem:s24], [sflag:$0x5] =	stream.indirect_vreg.gather [hbm4b:s5+s3], $0x80, v3, vm0, $0xb8;
	[tilespmem:$0x18200] =	vst v63  }
0x23b: {  	s28 =	simm.s32 $0x13A00  }
0x23c: {  	[tilespmem:s28], [sflag:$0x5] =	stream.indirect_vreg.gather [hbm4b:s6+s3], $0x80, v3, vm0, $0xb8;
	[tilespmem:$0x18200] =	vst v63  }
0x23d: {  	_ =	swait.ge [sflag:s26], $0x4000  }
0x23e: {  	[sflag:s26] =	ssyncset.done $0x0  }
0x23f: {  	[sflag:s26] =	ssyncadd.s32 $0xFFFFC000  }
0x240: {  	v3 =	vld [tilespmem:$0x170];
	_ =	sdelay $0x4  }
0x241: {  	v55 =	vshll.u32 v3, $0x3  }
0x242: {  	v3 =	vand.u32 $0x7, v3;
	v4 =	vand.u32 $0xFFFFFFC0, v55  }
0x243: {  	v3 =	vor.u32 v3, v4  }
0x244: {  	v4 =	vperm.xlane v3, v0;
	_ =	sdelay $0x1  }
0x245: {  	v4 =	vadd.s32 v1, v4;
	_ =	sdelay $0x3  }
0x246: {  	s13 =	simm.s32 $0x14200  }
0x247: {  	[tilespmem:s13], [sflag:$0x6] =	stream.indirect_vreg.gather [hbm4b:s1+s3], $0x80, v4, vm0, $0xb8;
	[tilespmem:$0x18200] =	vst v63  }
0x248: {  	s14 =	simm.s32 $0x14A00;
	v3 =	vperm.xlane v3, v2  }
0x249: {  	[tilespmem:s14], [sflag:$0x6] =	stream.indirect_vreg.gather [hbm4b:s4+s3], $0x80, v4, vm0, $0xb8;
	[tilespmem:$0x18200] =	vst v63  }
0x24a: {  	s15 =	simm.s32 $0x15200;
	v3 =	vadd.s32 v1, v3  }
0x24b: {  	[tilespmem:s15], [sflag:$0x6] =	stream.indirect_vreg.gather [hbm4b:s5+s3], $0x80, v4, vm0, $0xb8;
	[tilespmem:$0x18200] =	vst v63  }
0x24c: {  	s16 =	simm.s32 $0x15A00  }
0x24d: {  	[tilespmem:s16], [sflag:$0x6] =	stream.indirect_vreg.gather [hbm4b:s6+s3], $0x80, v4, vm0, $0xb8;
	[tilespmem:$0x18200] =	vst v63  }
0x24e: {  	s17 =	simm.s32 $0x16200  }
0x24f: {  	[tilespmem:s17], [sflag:$0x6] =	stream.indirect_vreg.gather [hbm4b:s1+s3], $0x80, v3, vm0, $0xb8;
	[tilespmem:$0x18200] =	vst v63  }
0x250: {  	s18 =	simm.s32 $0x16A00  }
0x251: {  	[tilespmem:s18], [sflag:$0x6] =	stream.indirect_vreg.gather [hbm4b:s4+s3], $0x80, v3, vm0, $0xb8;
	[tilespmem:$0x18200] =	vst v63  }
0x252: {  	s19 =	simm.s32 $0x17200  }
0x253: {  	[tilespmem:s19], [sflag:$0x6] =	stream.indirect_vreg.gather [hbm4b:s5+s3], $0x80, v3, vm0, $0xb8;
	[tilespmem:$0x18200] =	vst v63  }
0x254: {  	s19 =	simm.s32 $0x17A00  }
0x255: {  	[tilespmem:s19], [sflag:$0x6] =	stream.indirect_vreg.gather [hbm4b:s6+s3], $0x80, v3, vm0, $0xb8;
	[tilespmem:$0x18200] =	vst v63  }
0x256: {  	_ =	swait.ge [sflag:s31], $0x4000  }
0x257: {  	[sflag:s31] =	ssyncset.done $0x0  }
0x258: {  	[sflag:s31] =	ssyncadd.s32 $0xFFFFC000  }
0x259: {  	v3 =	vld [tilespmem:$0x180];
	_ =	sdelay $0x4  }
0x25a: {  	v56 =	vshll.u32 v3, $0x3  }
0x25b: {  	v3 =	vand.u32 $0x7, v3;
	v4 =	vand.u32 $0xFFFFFFC0, v56  }
0x25c: {  	v3 =	vor.u32 v3, v4  }
0x25d: {  	v4 =	vperm.xlane v3, v0;
	_ =	sdelay $0x1  }
0x25e: {  	v4 =	vadd.s32 v1, v4;
	_ =	sdelay $0x3  }
0x25f: {  	s28 =	simm.s32 $0x200  }
0x260: {  	[tilespmem:s28], [sflag:$0x1] =	stream.indirect_vreg.gather [hbm4b:s1+s3], $0x80, v4, vm0, $0xb8;
	[tilespmem:$0x18200] =	vst v63  }
0x261: {  	s19 =	simm.s32 $0xA00;
	v3 =	vperm.xlane v3, v2  }
0x262: {  	[tilespmem:s19], [sflag:$0x1] =	stream.indirect_vreg.gather [hbm4b:s4+s3], $0x80, v4, vm0, $0xb8;
	[tilespmem:$0x18200] =	vst v63  }
0x263: {  	v3 =	vadd.s32 v1, v3;
	s28 =	simm.s32 $0x1200  }
0x264: {  	[tilespmem:s28], [sflag:$0x1] =	stream.indirect_vreg.gather [hbm4b:s5+s3], $0x80, v4, vm0, $0xb8;
	[tilespmem:$0x18200] =	vst v63  }
0x265: {  	s19 =	simm.s32 $0x1A00  }
0x266: {  	[tilespmem:s19], [sflag:$0x1] =	stream.indirect_vreg.gather [hbm4b:s6+s3], $0x80, v4, vm0, $0xb8;
	[tilespmem:$0x18200] =	vst v63  }
0x267: {  	s28 =	simm.s32 $0x2200  }
0x268: {  	[tilespmem:s28], [sflag:$0x1] =	stream.indirect_vreg.gather [hbm4b:s1+s3], $0x80, v3, vm0, $0xb8;
	[tilespmem:$0x18200] =	vst v63  }
0x269: {  	s19 =	simm.s32 $0x2A00  }
0x26a: {  	[tilespmem:s19], [sflag:$0x1] =	stream.indirect_vreg.gather [hbm4b:s4+s3], $0x80, v3, vm0, $0xb8;
	[tilespmem:$0x18200] =	vst v63  }
0x26b: {  	s28 =	simm.s32 $0x3200  }
0x26c: {  	[tilespmem:s28], [sflag:$0x1] =	stream.indirect_vreg.gather [hbm4b:s5+s3], $0x80, v3, vm0, $0xb8;
	[tilespmem:$0x18200] =	vst v63  }
0x26d: {  	s19 =	simm.s32 $0x3A00  }
0x26e: {  	[tilespmem:s19], [sflag:$0x1] =	stream.indirect_vreg.gather [hbm4b:s6+s3], $0x80, v3, vm0, $0xb8;
	[tilespmem:$0x18200] =	vst v63  }
0x26f: {  	_ =	swait.ge [sflag:s0], $0x4000  }
0x270: {  	[sflag:s0] =	ssyncset.done $0x0  }
0x271: {  	[sflag:s0] =	ssyncadd.s32 $0xFFFFC000  }
0x272: {  	v3 =	vld [tilespmem:$0x190];
	_ =	sdelay $0x4  }
0x273: {  	v57 =	vshll.u32 v3, $0x3  }
0x274: {  	v3 =	vand.u32 $0x7, v3;
	v4 =	vand.u32 $0xFFFFFFC0, v57  }
0x275: {  	v3 =	vor.u32 v3, v4  }
0x276: {  	v4 =	vperm.xlane v3, v0;
	_ =	sdelay $0x1  }
0x277: {  	v4 =	vadd.s32 v1, v4;
	_ =	sdelay $0x3  }
0x278: {  	s28 =	simm.s32 $0x4200  }
0x279: {  	[tilespmem:s28], [sflag:$0x2] =	stream.indirect_vreg.gather [hbm4b:s1+s3], $0x80, v4, vm0, $0xb8;
	[tilespmem:$0x18200] =	vst v63  }
0x27a: {  	s19 =	simm.s32 $0x4A00;
	v3 =	vperm.xlane v3, v2  }
0x27b: {  	[tilespmem:s19], [sflag:$0x2] =	stream.indirect_vreg.gather [hbm4b:s4+s3], $0x80, v4, vm0, $0xb8;
	[tilespmem:$0x18200] =	vst v63  }
0x27c: {  	v3 =	vadd.s32 v1, v3;
	s28 =	simm.s32 $0x5200  }
0x27d: {  	[tilespmem:s28], [sflag:$0x2] =	stream.indirect_vreg.gather [hbm4b:s5+s3], $0x80, v4, vm0, $0xb8;
	[tilespmem:$0x18200] =	vst v63  }
0x27e: {  	s7 =	simm.s32 $0x5A00  }
0x27f: {  	[tilespmem:s7], [sflag:$0x2] =	stream.indirect_vreg.gather [hbm4b:s6+s3], $0x80, v4, vm0, $0xb8;
	[tilespmem:$0x18200] =	vst v63  }
0x280: {  	s7 =	simm.s32 $0x6200  }
0x281: {  	[tilespmem:s7], [sflag:$0x2] =	stream.indirect_vreg.gather [hbm4b:s1+s3], $0x80, v3, vm0, $0xb8;
	[tilespmem:$0x18200] =	vst v63  }
0x282: {  	s7 =	simm.s32 $0x6A00  }
0x283: {  	[tilespmem:s7], [sflag:$0x2] =	stream.indirect_vreg.gather [hbm4b:s4+s3], $0x80, v3, vm0, $0xb8;
	[tilespmem:$0x18200] =	vst v63  }
0x284: {  	s7 =	simm.s32 $0x7200  }
0x285: {  	[tilespmem:s7], [sflag:$0x2] =	stream.indirect_vreg.gather [hbm4b:s5+s3], $0x80, v3, vm0, $0xb8;
	[tilespmem:$0x18200] =	vst v63  }
0x286: {  	s7 =	simm.s32 $0x7A00  }
0x287: {  	[tilespmem:s7], [sflag:$0x2] =	stream.indirect_vreg.gather [hbm4b:s6+s3], $0x80, v3, vm0, $0xb8;
	[tilespmem:$0x18200] =	vst v63  }
0x288: {  	_ =	swait.ge [sflag:s2], $0x4000  }
0x289: {  	[sflag:s2] =	ssyncset.done $0x0  }
0x28a: {  	[sflag:s2] =	ssyncadd.s32 $0xFFFFC000  }
0x28b: {  	v3 =	vld [tilespmem:$0x1A0];
	_ =	sdelay $0x4  }
0x28c: {  	v58 =	vshll.u32 v3, $0x3  }
0x28d: {  	v3 =	vand.u32 $0x7, v3;
	v4 =	vand.u32 $0xFFFFFFC0, v58  }
0x28e: {  	v3 =	vor.u32 v3, v4  }
0x28f: {  	v4 =	vperm.xlane v3, v0;
	_ =	sdelay $0x1  }
0x290: {  	v4 =	vadd.s32 v1, v4;
	_ =	sdelay $0x3  }
0x291: {  	s7 =	simm.s32 $0x8200  }
0x292: {  	[tilespmem:s7], [sflag:$0x3] =	stream.indirect_vreg.gather [hbm4b:s1+s3], $0x80, v4, vm0, $0xb8;
	[tilespmem:$0x18200] =	vst v63  }
0x293: {  	v3 =	vperm.xlane v3, v2;
	s7 =	simm.s32 $0x8A00  }
0x294: {  	[tilespmem:s7], [sflag:$0x3] =	stream.indirect_vreg.gather [hbm4b:s4+s3], $0x80, v4, vm0, $0xb8;
	[tilespmem:$0x18200] =	vst v63  }
0x295: {  	v3 =	vadd.s32 v1, v3;
	s7 =	simm.s32 $0x9200  }
0x296: {  	[tilespmem:s7], [sflag:$0x3] =	stream.indirect_vreg.gather [hbm4b:s5+s3], $0x80, v4, vm0, $0xb8;
	[tilespmem:$0x18200] =	vst v63  }
0x297: {  	s11 =	simm.s32 $0x9A00  }
0x298: {  	[tilespmem:s11], [sflag:$0x3] =	stream.indirect_vreg.gather [hbm4b:s6+s3], $0x80, v4, vm0, $0xb8;
	[tilespmem:$0x18200] =	vst v63  }
0x299: {  	s12 =	simm.s32 $0xA200  }
0x29a: {  	[tilespmem:s12], [sflag:$0x3] =	stream.indirect_vreg.gather [hbm4b:s1+s3], $0x80, v3, vm0, $0xb8;
	[tilespmem:$0x18200] =	vst v63  }
0x29b: {  	s29 =	simm.s32 $0xAA00  }
0x29c: {  	[tilespmem:s29], [sflag:$0x3] =	stream.indirect_vreg.gather [hbm4b:s4+s3], $0x80, v3, vm0, $0xb8;
	[tilespmem:$0x18200] =	vst v63  }
0x29d: {  	s11 =	simm.s32 $0xB200  }
0x29e: {  	[tilespmem:s11], [sflag:$0x3] =	stream.indirect_vreg.gather [hbm4b:s5+s3], $0x80, v3, vm0, $0xb8;
	[tilespmem:$0x18200] =	vst v63  }
0x29f: {  	s12 =	simm.s32 $0xBA00  }
0x2a0: {  	[tilespmem:s12], [sflag:$0x3] =	stream.indirect_vreg.gather [hbm4b:s6+s3], $0x80, v3, vm0, $0xb8;
	[tilespmem:$0x18200] =	vst v63  }
0x2a1: {  	_ =	swait.ge [sflag:s8], $0x4000  }
0x2a2: {  	[sflag:s8] =	ssyncset.done $0x0  }
0x2a3: {  	[sflag:s8] =	ssyncadd.s32 $0xFFFFC000  }
0x2a4: {  	v3 =	vld [tilespmem:$0x1B0];
	_ =	sdelay $0x4  }
0x2a5: {  	v59 =	vshll.u32 v3, $0x3  }
0x2a6: {  	v3 =	vand.u32 $0x7, v3;
	v4 =	vand.u32 $0xFFFFFFC0, v59  }
0x2a7: {  	v3 =	vor.u32 v3, v4  }
0x2a8: {  	v4 =	vperm.xlane v3, v0;
	_ =	sdelay $0x1  }
0x2a9: {  	v4 =	vadd.s32 v1, v4;
	_ =	sdelay $0x3  }
0x2aa: {  	s29 =	simm.s32 $0xC200  }
0x2ab: {  	[tilespmem:s29], [sflag:$0x4] =	stream.indirect_vreg.gather [hbm4b:s1+s3], $0x80, v4, vm0, $0xb8;
	[tilespmem:$0x18200] =	vst v63  }
0x2ac: {  	s10 =	simm.s32 $0xCA00;
	v3 =	vperm.xlane v3, v2  }
0x2ad: {  	[tilespmem:s10], [sflag:$0x4] =	stream.indirect_vreg.gather [hbm4b:s4+s3], $0x80, v4, vm0, $0xb8;
	[tilespmem:$0x18200] =	vst v63  }
0x2ae: {  	s11 =	simm.s32 $0xD200;
	v3 =	vadd.s32 v1, v3  }
0x2af: {  	[tilespmem:s11], [sflag:$0x4] =	stream.indirect_vreg.gather [hbm4b:s5+s3], $0x80, v4, vm0, $0xb8;
	[tilespmem:$0x18200] =	vst v63  }
0x2b0: {  	s12 =	simm.s32 $0xDA00  }
0x2b1: {  	[tilespmem:s12], [sflag:$0x4] =	stream.indirect_vreg.gather [hbm4b:s6+s3], $0x80, v4, vm0, $0xb8;
	[tilespmem:$0x18200] =	vst v63  }
0x2b2: {  	s29 =	simm.s32 $0xE200  }
0x2b3: {  	[tilespmem:s29], [sflag:$0x4] =	stream.indirect_vreg.gather [hbm4b:s1+s3], $0x80, v3, vm0, $0xb8;
	[tilespmem:$0x18200] =	vst v63  }
0x2b4: {  	s10 =	simm.s32 $0xEA00  }
0x2b5: {  	[tilespmem:s10], [sflag:$0x4] =	stream.indirect_vreg.gather [hbm4b:s4+s3], $0x80, v3, vm0, $0xb8;
	[tilespmem:$0x18200] =	vst v63  }
0x2b6: {  	s11 =	simm.s32 $0xF200  }
0x2b7: {  	[tilespmem:s11], [sflag:$0x4] =	stream.indirect_vreg.gather [hbm4b:s5+s3], $0x80, v3, vm0, $0xb8;
	[tilespmem:$0x18200] =	vst v63  }
0x2b8: {  	s12 =	simm.s32 $0xFA00  }
0x2b9: {  	[tilespmem:s12], [sflag:$0x4] =	stream.indirect_vreg.gather [hbm4b:s6+s3], $0x80, v3, vm0, $0xb8;
	[tilespmem:$0x18200] =	vst v63  }
0x2ba: {  	_ =	swait.ge [sflag:s25], $0x4000  }
0x2bb: {  	[sflag:s25] =	ssyncset.done $0x0  }
0x2bc: {  	[sflag:s25] =	ssyncadd.s32 $0xFFFFC000  }
0x2bd: {  	v3 =	vld [tilespmem:$0x1C0];
	_ =	sdelay $0x4  }
0x2be: {  	v60 =	vshll.u32 v3, $0x3  }
0x2bf: {  	v3 =	vand.u32 $0x7, v3;
	v4 =	vand.u32 $0xFFFFFFC0, v60  }
0x2c0: {  	v3 =	vor.u32 v3, v4  }
0x2c1: {  	v4 =	vperm.xlane v3, v0;
	_ =	sdelay $0x1  }
0x2c2: {  	v4 =	vadd.s32 v1, v4;
	_ =	sdelay $0x3  }
0x2c3: {  	s29 =	simm.s32 $0x10200  }
0x2c4: {  	[tilespmem:s29], [sflag:$0x5] =	stream.indirect_vreg.gather [hbm4b:s1+s3], $0x80, v4, vm0, $0xb8;
	[tilespmem:$0x18200] =	vst v63  }
0x2c5: {  	s10 =	simm.s32 $0x10A00;
	v3 =	vperm.xlane v3, v2  }
0x2c6: {  	[tilespmem:s10], [sflag:$0x5] =	stream.indirect_vreg.gather [hbm4b:s4+s3], $0x80, v4, vm0, $0xb8;
	[tilespmem:$0x18200] =	vst v63  }
0x2c7: {  	s9 =	simm.s32 $0x11200;
	v3 =	vadd.s32 v1, v3  }
0x2c8: {  	[tilespmem:s9], [sflag:$0x5] =	stream.indirect_vreg.gather [hbm4b:s5+s3], $0x80, v4, vm0, $0xb8;
	[tilespmem:$0x18200] =	vst v63  }
0x2c9: {  	s30 =	simm.s32 $0x11A00  }
0x2ca: {  	[tilespmem:s30], [sflag:$0x5] =	stream.indirect_vreg.gather [hbm4b:s6+s3], $0x80, v4, vm0, $0xb8;
	[tilespmem:$0x18200] =	vst v63  }
0x2cb: {  	s21 =	simm.s32 $0x12200  }
0x2cc: {  	[tilespmem:s21], [sflag:$0x5] =	stream.indirect_vreg.gather [hbm4b:s1+s3], $0x80, v3, vm0, $0xb8;
	[tilespmem:$0x18200] =	vst v63  }
0x2cd: {  	s22 =	simm.s32 $0x12A00  }
0x2ce: {  	[tilespmem:s22], [sflag:$0x5] =	stream.indirect_vreg.gather [hbm4b:s4+s3], $0x80, v3, vm0, $0xb8;
	[tilespmem:$0x18200] =	vst v63  }
0x2cf: {  	s23 =	simm.s32 $0x13200  }
0x2d0: {  	[tilespmem:s23], [sflag:$0x5] =	stream.indirect_vreg.gather [hbm4b:s5+s3], $0x80, v3, vm0, $0xb8;
	[tilespmem:$0x18200] =	vst v63  }
0x2d1: {  	s24 =	simm.s32 $0x13A00  }
0x2d2: {  	[tilespmem:s24], [sflag:$0x5] =	stream.indirect_vreg.gather [hbm4b:s6+s3], $0x80, v3, vm0, $0xb8;
	[tilespmem:$0x18200] =	vst v63  }
0x2d3: {  	s11 =	rddreg [dreg:$0x4];
	_ =	swait.ge [sflag:s26], $0x4000  }
0x2d4: {  	[sflag:s26] =	ssyncset.done $0x0  }
0x2d5: {  	[sflag:s26] =	ssyncadd.s32 $0xFFFFC000  }
0x2d6: {  	v3 =	vld [tilespmem:$0x1D0];
	_ =	sdelay $0x4  }
0x2d7: {  	v61 =	vshll.u32 v3, $0x3  }
0x2d8: {  	v3 =	vand.u32 $0x7, v3;
	v4 =	vand.u32 $0xFFFFFFC0, v61  }
0x2d9: {  	v3 =	vor.u32 v3, v4  }
0x2da: {  	v4 =	vperm.xlane v3, v0;
	_ =	sdelay $0x1  }
0x2db: {  	v4 =	vadd.s32 v1, v4;
	_ =	sdelay $0x3  }
0x2dc: {  	s20 =	simm.s32 $0x14200  }
0x2dd: {  	[tilespmem:s20], [sflag:$0x6] =	stream.indirect_vreg.gather [hbm4b:s1+s3], $0x80, v4, vm0, $0xb8;
	[tilespmem:$0x18200] =	vst v63  }
0x2de: {  	s13 =	simm.s32 $0x14A00;
	v3 =	vperm.xlane v3, v2  }
0x2df: {  	[tilespmem:s13], [sflag:$0x6] =	stream.indirect_vreg.gather [hbm4b:s4+s3], $0x80, v4, vm0, $0xb8;
	[tilespmem:$0x18200] =	vst v63  }
0x2e0: {  	s14 =	simm.s32 $0x15200;
	v3 =	vadd.s32 v1, v3  }
0x2e1: {  	[tilespmem:s14], [sflag:$0x6] =	stream.indirect_vreg.gather [hbm4b:s5+s3], $0x80, v4, vm0, $0xb8;
	[tilespmem:$0x18200] =	vst v63  }
0x2e2: {  	s15 =	simm.s32 $0x15A00  }
0x2e3: {  	[tilespmem:s15], [sflag:$0x6] =	stream.indirect_vreg.gather [hbm4b:s6+s3], $0x80, v4, vm0, $0xb8;
	[tilespmem:$0x18200] =	vst v63  }
0x2e4: {  	s16 =	simm.s32 $0x16200  }
0x2e5: {  	[tilespmem:s16], [sflag:$0x6] =	stream.indirect_vreg.gather [hbm4b:s1+s3], $0x80, v3, vm0, $0xb8;
	[tilespmem:$0x18200] =	vst v63  }
0x2e6: {  	s17 =	simm.s32 $0x16A00  }
0x2e7: {  	[tilespmem:s17], [sflag:$0x6] =	stream.indirect_vreg.gather [hbm4b:s4+s3], $0x80, v3, vm0, $0xb8;
	[tilespmem:$0x18200] =	vst v63  }
0x2e8: {  	s18 =	simm.s32 $0x17200  }
0x2e9: {  	[tilespmem:s18], [sflag:$0x6] =	stream.indirect_vreg.gather [hbm4b:s5+s3], $0x80, v3, vm0, $0xb8;
	[tilespmem:$0x18200] =	vst v63  }
0x2ea: {  	s12 =	simm.s32 $0x17A00  }
0x2eb: {  	[tilespmem:s12], [sflag:$0x6] =	stream.indirect_vreg.gather [hbm4b:s6+s3], $0x80, v3, vm0, $0xb8;
	[tilespmem:$0x18200] =	vst v63  }
0x2ec: {  	_ =	swait.ge [sflag:s31], $0x4000  }
0x2ed: {  	[sflag:s31] =	ssyncset.done $0x0  }
0x2ee: {  	[sflag:s31] =	ssyncadd.s32 $0xFFFFC000  }
0x2ef: {  	v3 =	vld [tilespmem:$0x1E0];
	_ =	sdelay $0x4  }
0x2f0: {  	v62 =	vshll.u32 v3, $0x3  }
0x2f1: {  	v3 =	vand.u32 $0x7, v3;
	v4 =	vand.u32 $0xFFFFFFC0, v62  }
0x2f2: {  	v3 =	vor.u32 v3, v4  }
0x2f3: {  	v4 =	vperm.xlane v3, v0;
	_ =	sdelay $0x1  }
0x2f4: {  	v4 =	vadd.s32 v1, v4;
	_ =	sdelay $0x3  }
0x2f5: {  	s13 =	simm.s32 $0x200  }
0x2f6: {  	[tilespmem:s13], [sflag:$0x1] =	stream.indirect_vreg.gather [hbm4b:s1+s3], $0x80, v4, vm0, $0xb8;
	[tilespmem:$0x18200] =	vst v63  }
0x2f7: {  	s14 =	simm.s32 $0xA00;
	v3 =	vperm.xlane v3, v2  }
0x2f8: {  	[tilespmem:s14], [sflag:$0x1] =	stream.indirect_vreg.gather [hbm4b:s4+s3], $0x80, v4, vm0, $0xb8;
	[tilespmem:$0x18200] =	vst v63  }
0x2f9: {  	s15 =	simm.s32 $0x1200;
	v3 =	vadd.s32 v1, v3  }
0x2fa: {  	[tilespmem:s15], [sflag:$0x1] =	stream.indirect_vreg.gather [hbm4b:s5+s3], $0x80, v4, vm0, $0xb8;
	[tilespmem:$0x18200] =	vst v63  }
0x2fb: {  	s16 =	simm.s32 $0x1A00  }
0x2fc: {  	[tilespmem:s16], [sflag:$0x1] =	stream.indirect_vreg.gather [hbm4b:s6+s3], $0x80, v4, vm0, $0xb8;
	[tilespmem:$0x18200] =	vst v63  }
0x2fd: {  	s17 =	simm.s32 $0x2200  }
0x2fe: {  	[tilespmem:s17], [sflag:$0x1] =	stream.indirect_vreg.gather [hbm4b:s1+s3], $0x80, v3, vm0, $0xb8;
	[tilespmem:$0x18200] =	vst v63  }
0x2ff: {  	s18 =	simm.s32 $0x2A00  }
0x300: {  	[tilespmem:s18], [sflag:$0x1] =	stream.indirect_vreg.gather [hbm4b:s4+s3], $0x80, v3, vm0, $0xb8;
	[tilespmem:$0x18200] =	vst v63  }
0x301: {  	s20 =	simm.s32 $0x3200  }
0x302: {  	[tilespmem:s20], [sflag:$0x1] =	stream.indirect_vreg.gather [hbm4b:s5+s3], $0x80, v3, vm0, $0xb8;
	[tilespmem:$0x18200] =	vst v63  }
0x303: {  	s21 =	simm.s32 $0x3A00  }
0x304: {  	[tilespmem:s21], [sflag:$0x1] =	stream.indirect_vreg.gather [hbm4b:s6+s3], $0x80, v3, vm0, $0xb8;
	[tilespmem:$0x18200] =	vst v63  }
0x305: {  	_ =	swait.ge [sflag:s0], $0x4000  }
0x306: {  	[sflag:s0] =	ssyncset.done $0x0  }
0x307: {  	[sflag:s0] =	ssyncadd.s32 $0xFFFFC000  }
0x308: {  	v3 =	vld [tilespmem:$0x1F0];
	_ =	sdelay $0x4  }
0x309: {  	v63 =	vshll.u32 v3, $0x3  }
0x30a: {  	v3 =	vand.u32 $0x7, v3;
	v4 =	vand.u32 $0xFFFFFFC0, v63  }
0x30b: {  	v3 =	vor.u32 v3, v4  }
0x30c: {  	v4 =	vperm.xlane v3, v0;
	_ =	sdelay $0x1  }
0x30d: {  	v4 =	vadd.s32 v1, v4;
	_ =	sdelay $0x3  }
0x30e: {  	s22 =	simm.s32 $0x4200  }
0x30f: {  	[tilespmem:s22], [sflag:$0x2] =	stream.indirect_vreg.gather [hbm4b:s1+s3], $0x80, v4, vm0, $0xb8;
	[tilespmem:$0x18200] =	vst v63  }
0x310: {  	s23 =	simm.s32 $0x4A00;
	v3 =	vperm.xlane v3, v2  }
0x311: {  	[tilespmem:s23], [sflag:$0x2] =	stream.indirect_vreg.gather [hbm4b:s4+s3], $0x80, v4, vm0, $0xb8;
	[tilespmem:$0x18200] =	vst v63  }
0x312: {  	s19 =	simm.s32 $0x5200;
	v3 =	vadd.s32 v1, v3  }
0x313: {  	[tilespmem:s19], [sflag:$0x2] =	stream.indirect_vreg.gather [hbm4b:s5+s3], $0x80, v4, vm0, $0xb8;
	[tilespmem:$0x18200] =	vst v63  }
0x314: {  	s28 =	simm.s32 $0x5A00  }
0x315: {  	[tilespmem:s28], [sflag:$0x2] =	stream.indirect_vreg.gather [hbm4b:s6+s3], $0x80, v4, vm0, $0xb8;
	[tilespmem:$0x18200] =	vst v63  }
0x316: {  	s24 =	simm.s32 $0x6200  }
0x317: {  	[tilespmem:s24], [sflag:$0x2] =	stream.indirect_vreg.gather [hbm4b:s1+s3], $0x80, v3, vm0, $0xb8;
	[tilespmem:$0x18200] =	vst v63  }
0x318: {  	s28 =	simm.s32 $0x6A00  }
0x319: {  	[tilespmem:s28], [sflag:$0x2] =	stream.indirect_vreg.gather [hbm4b:s4+s3], $0x80, v3, vm0, $0xb8;
	[tilespmem:$0x18200] =	vst v63  }
0x31a: {  	s29 =	simm.s32 $0x7200  }
0x31b: {  	[tilespmem:s29], [sflag:$0x2] =	stream.indirect_vreg.gather [hbm4b:s5+s3], $0x80, v3, vm0, $0xb8;
	[tilespmem:$0x18200] =	vst v63  }
0x31c: {  	s30 =	simm.s32 $0x7A00  }
0x31d: {  	[tilespmem:s30], [sflag:$0x2] =	stream.indirect_vreg.gather [hbm4b:s6+s3], $0x80, v3, vm0, $0xb8;
	[tilespmem:$0x18200] =	vst v63  }
0x31e: {  	_ =	swait.ge [sflag:s2], $0x4000  }
0x31f: {  	[sflag:s2] =	ssyncset.done $0x0  }
0x320: {  	[sflag:s2] =	ssyncadd.s32 $0xFFFFC000  }
0x321: {  	_ =	swait.ge [sflag:s8], $0x4000  }
0x322: {  	[sflag:s8] =	ssyncset.done $0x0  }
0x323: {  	[sflag:s8] =	ssyncadd.s32 $0xFFFFC000  }
0x324: {  	_ =	swait.ge [sflag:s25], $0x4000  }
0x325: {  	[sflag:s25] =	ssyncset.done $0x0  }
0x326: {  	[sflag:s25] =	ssyncadd.s32 $0xFFFFC000  }
0x327: {  	_ =	swait.ge [sflag:s26], $0x4000  }
0x328: {  	[sflag:s26] =	ssyncset.done $0x0  }
0x329: {  	[sflag:s26] =	ssyncadd.s32 $0xFFFFC000  }
0x32a: {  	p0 =	sne.s32 s11, $0x1;
	_ =	swait.ge [sflag:s31], $0x4000  }
.Ltmp0:
0x32b: {  	[sflag:s31] =	ssyncset.done $0x0;
	(pc) =	sbr.rel @p0 .LBB2_1-.Ltmp0, $4  }
0x32c: {  	[sflag:s31] =	ssyncadd.s32 $0xFFFFC000  }
0x32d: {  	_ =	swait.ge [sflag:s0], $0x4000  }
0x32e: {  	[sflag:s0] =	ssyncset.done $0x0  }
0x32f: {  	s7 =	sadd.s32 $0xFFFFFFFF, s11;
	[sflag:s0] =	ssyncadd.s32 $0xFFFFC000  }
0x330: {  	_ =	sfence.sel $0x180000  }
0x331: {  	[bflag:$0x0] =	sbarrier.arrive $0xFFFF  }
0x332: {  	_ =	strace $0x90000047  }
0x333: {  	s0 =	stileid.u32;
	[bflag:$0x2] =	sbarrier.arrive $0xFFFF  }
0x334: {  	p0 =	sne.s32 s0, $0x0;
	s0 =	rddreg [dreg:$0x2]  }
0x335: {  	s0 =	sadd.s32 @!p0 $0x100000, s0  }
0x336: {  	[sflag:s0] =	ssyncadd.tile.s32 @!p0 $0x1;
	_ =	shalt  }
.Lfunc_end2:
_tile_overlayer_lowered:
.L_overlay_start_2:
0x337: {  	(tag) =	ssettag $0x2  }
0x338: {  	s0 =	rddreg [dreg:$0x0];
	s2 =	stileid.u32  }
0x339: {  	s1 =	rddreg [dreg:$0x1];
	p0 =	sne.s32 s2, $0x0  }
0x33a: {  	s3 =	rddreg [dreg:$0x2];
	[bflag:$0x3] =	sbarrier.arrive $0xFFFF;
	s2 =	simm.s32 @!p0 $0x1C07  }
0x33b: {  	[timem:s3], [sflag:s2] =	dma.local @!p0 [hbm:s0], s1  }
0x33c: {  	s0 =	simm.s32 @!p0 $0x7  }
0x33d: {  	_ =	swait.ge @!p0 [sflag:s0], s1  }
0x33e: {  	s1 =	ssub.s32 @!p0 $0x0, s1;
	[sflag:s0] =	ssyncset.done @!p0 $0x0  }
0x33f: {  	[sflag:s0] =	ssyncadd.s32 @!p0 s1  }
0x340: {  	[bflag:$0x3] =	sbarrier.arrive $0xFFFF  }
0x341: {  	_ =	shalt  }

</sc_bundles>
